<compile_context>
chip_gen: v7x
topology: tpu7x:2x2x1
jax: 0.10.2.dev20260603
libtpu: 0.0.44.dev20260713+nightly
codegen_flags: <defaults>
</compile_context>

<pallas_src>
import jax
import jax.numpy as jnp
from jax import lax
from jax.experimental import pallas as pl
from jax.experimental.pallas import tpu as pltpu
from jax.experimental.pallas import tpu_sc as plsc

_NC = 2
_NS = 16
_L = 16


def _sc_body(x_hbm, w_hbm, out_hbm, xv, wv, outv, sem):
    wid = lax.axis_index("s") * _NC + lax.axis_index("c")
    bb = wid // 4
    bo = (wid % 4) * 32

    copies = [
        pltpu.async_copy(
            x_hbm.at[pl.ds(j * 4096 + bb * 512 + bo, 32)], xv.at[j], sem)
        for j in range(5)
    ]
    copies.append(pltpu.async_copy(w_hbm, wv, sem))
    for c in copies:
        c.wait()

    wk = wv[pl.ds(0, _L)]
    wr = wv[pl.ds(_L, _L)]
    w = [[None] * 4 for _ in range(4)]
    for m in range(4):
        for f in range(4):
            acc = wr[4 * m] * wk[f]
            for c in range(1, 4):
                acc = acc + wr[4 * m + c] * wk[4 * c + f]
            w[m][f] = acc

    for g in range(2):
        sl = pl.ds(g * _L, _L)
        q = xv[0, sl]
        feats = [xv[1 + f, sl] for f in range(4)]
        for m in range(4):
            acc = feats[0] * w[m][0]
            for f in range(1, 4):
                acc = acc + feats[f] * w[m][f]
            outv[m, sl] = q * acc

    out_copies = [
        pltpu.async_copy(
            outv.at[m], out_hbm.at[pl.ds((bb * 4 + m) * 128 + bo, 32)], sem)
        for m in range(4)
    ]
    for c in out_copies:
        c.wait()


def kernel(xss, seq_lengths, W_kernel, W_reg):
    del seq_lengths
    B, dim_m, dim_q = xss.shape
    nb = B // 128
    x1d = (xss.reshape(nb, 128, dim_m, dim_q)
           .transpose(3, 0, 2, 1)
           .reshape(dim_q * nb * dim_m * 128))
    mesh = plsc.VectorSubcoreMesh(core_axis_name="c", subcore_axis_name="s",
                                  num_cores=_NC, num_subcores=_NS)
    run = pl.kernel(
        _sc_body,
        out_type=jax.ShapeDtypeStruct((nb * dim_m * 128,), jnp.float32),
        mesh=mesh,
        scratch_types=[
            pltpu.VMEM((dim_q, 32), jnp.float32),
            pltpu.VMEM((2 * dim_m * dim_m,), jnp.float32),
            pltpu.VMEM((dim_m, 32), jnp.float32),
            pltpu.SemaphoreType.DMA,
        ],
    )
    wboth = jnp.concatenate([W_kernel.reshape(dim_m * dim_m),
                             W_reg.reshape(dim_m * dim_m)])
    y = run(x1d, wboth)
    return (y.reshape(nb, dim_m, 128)
            .transpose(0, 2, 1)
            .reshape(B, dim_m))

# --- scband reference (transcript-rebuilt; emitter-appended) ---
"""Pipeline reference for scband-contextual-model-75806172774985 (READ-ONLY COPY).

The authoritative reference and input builder live on the scoring server;
editing this copy changes nothing except your own understanding.
"""

import jax, jax.numpy as jnp
import numpy as np

dim_m = 4
dim_c = dim_m
dim_f = dim_m
dim_q = dim_f + 1


def setup_inputs(seed: int = 0) -> dict:
    key = jax.random.key(seed)
    k1, k2, k3 = jax.random.split(key, 3)
    B = 1024
    xss = jax.random.normal(k1, (B, dim_m, dim_q), dtype=jnp.float32)
    # IMPORTANT: the original torch module computes ks * qs[:, 0] where
    # ks has shape (s, dim_c) and qs[:, 0] has shape (s,). Torch broadcasting
    # only allows s == 1 or s == dim_c (=4). We fix all seq_lengths to 1
    # (fill='ones'), which is the safe, always-valid choice.
    seq_lengths = jnp.ones((B,), dtype=jnp.int32)
    # fc_kernel: Linear(dim_q-1 -> dim_c, bias=False), weight shape (dim_c, dim_q-1)
    W_kernel = jax.random.normal(k2, (dim_c, dim_q - 1), dtype=jnp.float32) * (1.0 / np.sqrt(dim_q - 1))
    # fc_context_regression: Linear(dim_c -> dim_m, bias=False), weight shape (dim_m, dim_c)
    W_reg = jax.random.normal(k3, (dim_m, dim_c), dtype=jnp.float32) * (1.0 / np.sqrt(dim_c))
    return {"xss": xss, "seq_lengths": seq_lengths, "W_kernel": W_kernel, "W_reg": W_reg}


def reference(xss, seq_lengths, W_kernel, W_reg):
    # Original per-batch loop: xs = xss[b, :s, :]; ks = xs[:,1:] @ Wk.T;
    # context = sum(ks * xs[:,0], dim=0); ys = contexts @ Wr.T.
    # With seq_lengths all equal to 1 (guaranteed by setup_inputs / input_specs),
    # xs = xss[b, :1, :], and ks * qs[:,0] broadcasts (1,4)*(1,) -> scalar multiply.
    # The sum over the length-1 sequence dim is the identity, so the whole loop
    # vectorizes exactly as follows:
    xs0 = xss[:, 0, :]                 # (B, dim_q)
    ks = xs0[:, 1:] @ W_kernel.T       # (B, dim_c)
    scaled = ks * xs0[:, 0:1]          # ks * qs[:, 0]  (per-row scalar when s == 1)
    contexts = scaled                  # pool: sum over sequence dim of length 1
    ys = contexts @ W_reg.T            # (B, dim_m)
    return ys

if __name__ == "__main__":
    import jax
    _d = setup_inputs()
    print(jax.jit(kernel)(*tuple(_d.values())))

</pallas_src>

<mosaic_0001>
#map = affine_map<(d0, d1) -> (0)>
module attributes {stable_mosaic.version = 14 : i64} {
  func.func @_sc_body(%arg0: i32, %arg1: i32, %arg2: memref<20480xf32, #tpu.memory_space<hbm>>, %arg3: memref<32xf32, #tpu.memory_space<hbm>>, %arg4: memref<4096xf32, #tpu.memory_space<hbm>>, %arg5: memref<5x32xf32, #tpu.memory_space<vmem>>, %arg6: memref<32xf32, #tpu.memory_space<vmem>>, %arg7: memref<4x32xf32, #tpu.memory_space<vmem>>, %arg8: memref<!tpu.dma_semaphore, #tpu.memory_space<semaphore_mem>>) attributes {dimension_semantics = [#tpu.dimension_semantics<core_parallel>, #tpu.dimension_semantics<subcore_parallel>], iteration_bounds = array<i64: 2, 16>, scalar_prefetch = 0 : i64, scratch_operands = 4 : i64, tpu.core_type = #tpu.core_type<sc_vector_subcore>, window_params = [{transform_indices = #map}, {transform_indices = #map}, {transform_indices = #map}]} {
    %mul3A = arith.constant 2 : i32
    %mul3A_0 = arith.muli %arg1, %mul3A : i32
    %add3A = arith.addi %mul3A_0, %arg0 : i32
    %jit3A = arith.constant 4 : i32
    %div3A = arith.divsi %add3A, %jit3A : i32
    %sign3A = arith.constant 0 : i32
    %sign3A_1 = arith.cmpi sgt, %add3A, %sign3A : i32
    %sign3A_2 = arith.extui %sign3A_1 : i1 to i32
    %sign3A_3 = arith.constant 0 : i32
    %sign3A_4 = arith.cmpi slt, %add3A, %sign3A_3 : i32
    %sign3A_5 = arith.extui %sign3A_4 : i1 to i32
    %sign3A_6 = arith.subi %sign3A_2, %sign3A_5 : i32
    %sign3A_7 = arith.constant 0 : i32
    %sign3A_8 = arith.cmpi sgt, %jit3A, %sign3A_7 : i32
    %sign3A_9 = arith.extui %sign3A_8 : i1 to i32
    %sign3A_10 = arith.constant 0 : i32
    %sign3A_11 = arith.cmpi slt, %jit3A, %sign3A_10 : i32
    %sign3A_12 = arith.extui %sign3A_11 : i1 to i32
    %sign3A_13 = arith.subi %sign3A_9, %sign3A_12 : i32
    %ne3A = arith.cmpi ne, %sign3A_6, %sign3A_13 : i32
    %rem3A = arith.remsi %add3A, %jit3A : i32
    %ne3A_14 = arith.constant 0 : i32
    %ne3A_15 = arith.cmpi ne, %rem3A, %ne3A_14 : i32
    %and3A = arith.andi %ne3A, %ne3A_15 : i1
    %sub3A = arith.constant 1 : i32
    %sub3A_16 = arith.subi %div3A, %sub3A : i32
    %select_n3A = arith.select %and3A, %sub3A_16, %div3A : i32
    %jit3A_17 = arith.constant 4 : i32
    %eq3A = arith.constant 0 : i32
    %eq3A_18 = arith.cmpi eq, %jit3A_17, %eq3A : i32
    %jit3A_19 = arith.constant 1 : i32
    %select_n3A_20 = arith.select %eq3A_18, %jit3A_19, %jit3A_17 : i32
    %rem3A_21 = arith.remsi %add3A, %select_n3A_20 : i32
    %ne3A_22 = arith.constant 0 : i32
    %ne3A_23 = arith.cmpi ne, %rem3A_21, %ne3A_22 : i32
    %lt3A = arith.constant 0 : i32
    %lt3A_24 = arith.cmpi slt, %rem3A_21, %lt3A : i32
    %lt3A_25 = arith.constant 0 : i32
    %lt3A_26 = arith.cmpi slt, %select_n3A_20, %lt3A_25 : i32
    %ne3A_27 = arith.xori %lt3A_24, %lt3A_26 : i1
    %and3A_28 = arith.andi %ne3A_27, %ne3A_23 : i1
    %add3A_29 = arith.addi %rem3A_21, %select_n3A_20 : i32
    %select_n3A_30 = arith.select %and3A_28, %add3A_29, %rem3A_21 : i32
    %mul3A_31 = arith.constant 32 : i32
    %mul3A_32 = arith.muli %select_n3A_30, %mul3A_31 : i32
    %mul3A_33 = arith.constant 512 : i32
    %mul3A_34 = arith.muli %select_n3A, %mul3A_33 : i32
    %add3A_35 = arith.constant 0 : i32
    %add3A_36 = arith.addi %add3A_35, %mul3A_34 : i32
    %add3A_37 = arith.addi %add3A_36, %mul3A_32 : i32
    %dma_start3A = arith.constant 0 : i32
    %dma_start3A_38 = arith.constant 0 : i32
    %dma_start3A_39 = tpu.memref_slice %arg5[%dma_start3A, %dma_start3A_38] : memref<5x32xf32, #tpu.memory_space<vmem>> -> memref<1x32xf32, #tpu.memory_space<vmem>>
    %dma_start3A_40 = tpu.memref_squeeze %dma_start3A_39 : memref<1x32xf32, #tpu.memory_space<vmem>> -> memref<32xf32, #tpu.memory_space<vmem>>
    %dma_start3A_41 = tpu.memref_slice %arg2[%add3A_37] : memref<20480xf32, #tpu.memory_space<hbm>> -> memref<32xf32, #tpu.memory_space<hbm>>
    %dma_start3A_42 = arith.constant 0 : i32
    %dma_start3A_43 = tpu.memref_slice %arg5[%dma_start3A, %dma_start3A_42] : memref<5x32xf32, #tpu.memory_space<vmem>> -> memref<1x32xf32, #tpu.memory_space<vmem>>
    %dma_start3A_44 = tpu.memref_squeeze %dma_start3A_43 : memref<1x32xf32, #tpu.memory_space<vmem>> -> memref<32xf32, #tpu.memory_space<vmem>>
    %dma_start3A_45 = tpu.memref_slice %arg2[%add3A_37] : memref<20480xf32, #tpu.memory_space<hbm>> -> memref<32xf32, #tpu.memory_space<hbm>>
    tpu.enqueue_dma source(%dma_start3A_45 : memref<32xf32, #tpu.memory_space<hbm>>) target(%dma_start3A_44 : memref<32xf32, #tpu.memory_space<vmem>>) target_semaphore(%arg8 : memref<!tpu.dma_semaphore, #tpu.memory_space<semaphore_mem>>)
    %mul3A_46 = arith.constant 512 : i32
    %mul3A_47 = arith.muli %select_n3A, %mul3A_46 : i32
    %add3A_48 = arith.constant 4096 : i32
    %add3A_49 = arith.addi %add3A_48, %mul3A_47 : i32
    %add3A_50 = arith.addi %add3A_49, %mul3A_32 : i32
    %dma_start3A_51 = arith.constant 1 : i32
    %dma_start3A_52 = arith.constant 0 : i32
    %dma_start3A_53 = tpu.memref_slice %arg5[%dma_start3A_51, %dma_start3A_52] : memref<5x32xf32, #tpu.memory_space<vmem>> -> memref<1x32xf32, #tpu.memory_space<vmem>>
    %dma_start3A_54 = tpu.memref_squeeze %dma_start3A_53 : memref<1x32xf32, #tpu.memory_space<vmem>> -> memref<32xf32, #tpu.memory_space<vmem>>
    %dma_start3A_55 = tpu.memref_slice %arg2[%add3A_50] : memref<20480xf32, #tpu.memory_space<hbm>> -> memref<32xf32, #tpu.memory_space<hbm>>
    %dma_start3A_56 = arith.constant 0 : i32
    %dma_start3A_57 = tpu.memref_slice %arg5[%dma_start3A_51, %dma_start3A_56] : memref<5x32xf32, #tpu.memory_space<vmem>> -> memref<1x32xf32, #tpu.memory_space<vmem>>
    %dma_start3A_58 = tpu.memref_squeeze %dma_start3A_57 : memref<1x32xf32, #tpu.memory_space<vmem>> -> memref<32xf32, #tpu.memory_space<vmem>>
    %dma_start3A_59 = tpu.memref_slice %arg2[%add3A_50] : memref<20480xf32, #tpu.memory_space<hbm>> -> memref<32xf32, #tpu.memory_space<hbm>>
    tpu.enqueue_dma source(%dma_start3A_59 : memref<32xf32, #tpu.memory_space<hbm>>) target(%dma_start3A_58 : memref<32xf32, #tpu.memory_space<vmem>>) target_semaphore(%arg8 : memref<!tpu.dma_semaphore, #tpu.memory_space<semaphore_mem>>)
    %mul3A_60 = arith.constant 512 : i32
    %mul3A_61 = arith.muli %select_n3A, %mul3A_60 : i32
    %add3A_62 = arith.constant 8192 : i32
    %add3A_63 = arith.addi %add3A_62, %mul3A_61 : i32
    %add3A_64 = arith.addi %add3A_63, %mul3A_32 : i32
    %dma_start3A_65 = arith.constant 2 : i32
    %dma_start3A_66 = arith.constant 0 : i32
    %dma_start3A_67 = tpu.memref_slice %arg5[%dma_start3A_65, %dma_start3A_66] : memref<5x32xf32, #tpu.memory_space<vmem>> -> memref<1x32xf32, #tpu.memory_space<vmem>>
    %dma_start3A_68 = tpu.memref_squeeze %dma_start3A_67 : memref<1x32xf32, #tpu.memory_space<vmem>> -> memref<32xf32, #tpu.memory_space<vmem>>
    %dma_start3A_69 = tpu.memref_slice %arg2[%add3A_64] : memref<20480xf32, #tpu.memory_space<hbm>> -> memref<32xf32, #tpu.memory_space<hbm>>
    %dma_start3A_70 = arith.constant 0 : i32
    %dma_start3A_71 = tpu.memref_slice %arg5[%dma_start3A_65, %dma_start3A_70] : memref<5x32xf32, #tpu.memory_space<vmem>> -> memref<1x32xf32, #tpu.memory_space<vmem>>
    %dma_start3A_72 = tpu.memref_squeeze %dma_start3A_71 : memref<1x32xf32, #tpu.memory_space<vmem>> -> memref<32xf32, #tpu.memory_space<vmem>>
    %dma_start3A_73 = tpu.memref_slice %arg2[%add3A_64] : memref<20480xf32, #tpu.memory_space<hbm>> -> memref<32xf32, #tpu.memory_space<hbm>>
    tpu.enqueue_dma source(%dma_start3A_73 : memref<32xf32, #tpu.memory_space<hbm>>) target(%dma_start3A_72 : memref<32xf32, #tpu.memory_space<vmem>>) target_semaphore(%arg8 : memref<!tpu.dma_semaphore, #tpu.memory_space<semaphore_mem>>)
    %mul3A_74 = arith.constant 512 : i32
    %mul3A_75 = arith.muli %select_n3A, %mul3A_74 : i32
    %add3A_76 = arith.constant 12288 : i32
    %add3A_77 = arith.addi %add3A_76, %mul3A_75 : i32
    %add3A_78 = arith.addi %add3A_77, %mul3A_32 : i32
    %dma_start3A_79 = arith.constant 3 : i32
    %dma_start3A_80 = arith.constant 0 : i32
    %dma_start3A_81 = tpu.memref_slice %arg5[%dma_start3A_79, %dma_start3A_80] : memref<5x32xf32, #tpu.memory_space<vmem>> -> memref<1x32xf32, #tpu.memory_space<vmem>>
    %dma_start3A_82 = tpu.memref_squeeze %dma_start3A_81 : memref<1x32xf32, #tpu.memory_space<vmem>> -> memref<32xf32, #tpu.memory_space<vmem>>
    %dma_start3A_83 = tpu.memref_slice %arg2[%add3A_78] : memref<20480xf32, #tpu.memory_space<hbm>> -> memref<32xf32, #tpu.memory_space<hbm>>
    %dma_start3A_84 = arith.constant 0 : i32
    %dma_start3A_85 = tpu.memref_slice %arg5[%dma_start3A_79, %dma_start3A_84] : memref<5x32xf32, #tpu.memory_space<vmem>> -> memref<1x32xf32, #tpu.memory_space<vmem>>
    %dma_start3A_86 = tpu.memref_squeeze %dma_start3A_85 : memref<1x32xf32, #tpu.memory_space<vmem>> -> memref<32xf32, #tpu.memory_space<vmem>>
    %dma_start3A_87 = tpu.memref_slice %arg2[%add3A_78] : memref<20480xf32, #tpu.memory_space<hbm>> -> memref<32xf32, #tpu.memory_space<hbm>>
    tpu.enqueue_dma source(%dma_start3A_87 : memref<32xf32, #tpu.memory_space<hbm>>) target(%dma_start3A_86 : memref<32xf32, #tpu.memory_space<vmem>>) target_semaphore(%arg8 : memref<!tpu.dma_semaphore, #tpu.memory_space<semaphore_mem>>)
    %mul3A_88 = arith.constant 512 : i32
    %mul3A_89 = arith.muli %select_n3A, %mul3A_88 : i32
    %add3A_90 = arith.constant 16384 : i32
    %add3A_91 = arith.addi %add3A_90, %mul3A_89 : i32
    %add3A_92 = arith.addi %add3A_91, %mul3A_32 : i32
    %dma_start3A_93 = arith.constant 4 : i32
    %dma_start3A_94 = arith.constant 0 : i32
    %dma_start3A_95 = tpu.memref_slice %arg5[%dma_start3A_93, %dma_start3A_94] : memref<5x32xf32, #tpu.memory_space<vmem>> -> memref<1x32xf32, #tpu.memory_space<vmem>>
    %dma_start3A_96 = tpu.memref_squeeze %dma_start3A_95 : memref<1x32xf32, #tpu.memory_space<vmem>> -> memref<32xf32, #tpu.memory_space<vmem>>
    %dma_start3A_97 = tpu.memref_slice %arg2[%add3A_92] : memref<20480xf32, #tpu.memory_space<hbm>> -> memref<32xf32, #tpu.memory_space<hbm>>
    %dma_start3A_98 = arith.constant 0 : i32
    %dma_start3A_99 = tpu.memref_slice %arg5[%dma_start3A_93, %dma_start3A_98] : memref<5x32xf32, #tpu.memory_space<vmem>> -> memref<1x32xf32, #tpu.memory_space<vmem>>
    %dma_start3A_100 = tpu.memref_squeeze %dma_start3A_99 : memref<1x32xf32, #tpu.memory_space<vmem>> -> memref<32xf32, #tpu.memory_space<vmem>>
    %dma_start3A_101 = tpu.memref_slice %arg2[%add3A_92] : memref<20480xf32, #tpu.memory_space<hbm>> -> memref<32xf32, #tpu.memory_space<hbm>>
    tpu.enqueue_dma source(%dma_start3A_101 : memref<32xf32, #tpu.memory_space<hbm>>) target(%dma_start3A_100 : memref<32xf32, #tpu.memory_space<vmem>>) target_semaphore(%arg8 : memref<!tpu.dma_semaphore, #tpu.memory_space<semaphore_mem>>)
    tpu.enqueue_dma source(%arg3 : memref<32xf32, #tpu.memory_space<hbm>>) target(%arg6 : memref<32xf32, #tpu.memory_space<vmem>>) target_semaphore(%arg8 : memref<!tpu.dma_semaphore, #tpu.memory_space<semaphore_mem>>)
    %dma_wait3A = arith.constant 0 : i32
    %dma_wait3A_102 = arith.constant 0 : i32
    %dma_wait3A_103 = tpu.memref_slice %arg5[%dma_wait3A, %dma_wait3A_102] : memref<5x32xf32, #tpu.memory_space<vmem>> -> memref<1x32xf32, #tpu.memory_space<vmem>>
    %dma_wait3A_104 = tpu.memref_squeeze %dma_wait3A_103 : memref<1x32xf32, #tpu.memory_space<vmem>> -> memref<32xf32, #tpu.memory_space<vmem>>
    %dma_wait3A_105 = tpu.memref_slice %arg2[%add3A_37] : memref<20480xf32, #tpu.memory_space<hbm>> -> memref<32xf32, #tpu.memory_space<hbm>>
    %dma_wait3A_106 = arith.constant 0 : i32
    %dma_wait3A_107 = tpu.memref_slice %arg5[%dma_wait3A, %dma_wait3A_106] : memref<5x32xf32, #tpu.memory_space<vmem>> -> memref<1x32xf32, #tpu.memory_space<vmem>>
    %dma_wait3A_108 = tpu.memref_squeeze %dma_wait3A_107 : memref<1x32xf32, #tpu.memory_space<vmem>> -> memref<32xf32, #tpu.memory_space<vmem>>
    %dma_wait3A_109 = tpu.memref_slice %arg2[%add3A_37] : memref<20480xf32, #tpu.memory_space<hbm>> -> memref<32xf32, #tpu.memory_space<hbm>>
    tpu.wait_dma2 semaphore(%arg8 : memref<!tpu.dma_semaphore, #tpu.memory_space<semaphore_mem>>) src(%dma_wait3A_109 : memref<32xf32, #tpu.memory_space<hbm>>) dst(%dma_wait3A_108 : memref<32xf32, #tpu.memory_space<vmem>>)
    %dma_wait3A_110 = arith.constant 1 : i32
    %dma_wait3A_111 = arith.constant 0 : i32
    %dma_wait3A_112 = tpu.memref_slice %arg5[%dma_wait3A_110, %dma_wait3A_111] : memref<5x32xf32, #tpu.memory_space<vmem>> -> memref<1x32xf32, #tpu.memory_space<vmem>>
    %dma_wait3A_113 = tpu.memref_squeeze %dma_wait3A_112 : memref<1x32xf32, #tpu.memory_space<vmem>> -> memref<32xf32, #tpu.memory_space<vmem>>
    %dma_wait3A_114 = tpu.memref_slice %arg2[%add3A_50] : memref<20480xf32, #tpu.memory_space<hbm>> -> memref<32xf32, #tpu.memory_space<hbm>>
    %dma_wait3A_115 = arith.constant 0 : i32
    %dma_wait3A_116 = tpu.memref_slice %arg5[%dma_wait3A_110, %dma_wait3A_115] : memref<5x32xf32, #tpu.memory_space<vmem>> -> memref<1x32xf32, #tpu.memory_space<vmem>>
    %dma_wait3A_117 = tpu.memref_squeeze %dma_wait3A_116 : memref<1x32xf32, #tpu.memory_space<vmem>> -> memref<32xf32, #tpu.memory_space<vmem>>
    %dma_wait3A_118 = tpu.memref_slice %arg2[%add3A_50] : memref<20480xf32, #tpu.memory_space<hbm>> -> memref<32xf32, #tpu.memory_space<hbm>>
    tpu.wait_dma2 semaphore(%arg8 : memref<!tpu.dma_semaphore, #tpu.memory_space<semaphore_mem>>) src(%dma_wait3A_118 : memref<32xf32, #tpu.memory_space<hbm>>) dst(%dma_wait3A_117 : memref<32xf32, #tpu.memory_space<vmem>>)
    %dma_wait3A_119 = arith.constant 2 : i32
    %dma_wait3A_120 = arith.constant 0 : i32
    %dma_wait3A_121 = tpu.memref_slice %arg5[%dma_wait3A_119, %dma_wait3A_120] : memref<5x32xf32, #tpu.memory_space<vmem>> -> memref<1x32xf32, #tpu.memory_space<vmem>>
    %dma_wait3A_122 = tpu.memref_squeeze %dma_wait3A_121 : memref<1x32xf32, #tpu.memory_space<vmem>> -> memref<32xf32, #tpu.memory_space<vmem>>
    %dma_wait3A_123 = tpu.memref_slice %arg2[%add3A_64] : memref<20480xf32, #tpu.memory_space<hbm>> -> memref<32xf32, #tpu.memory_space<hbm>>
    %dma_wait3A_124 = arith.constant 0 : i32
    %dma_wait3A_125 = tpu.memref_slice %arg5[%dma_wait3A_119, %dma_wait3A_124] : memref<5x32xf32, #tpu.memory_space<vmem>> -> memref<1x32xf32, #tpu.memory_space<vmem>>
    %dma_wait3A_126 = tpu.memref_squeeze %dma_wait3A_125 : memref<1x32xf32, #tpu.memory_space<vmem>> -> memref<32xf32, #tpu.memory_space<vmem>>
    %dma_wait3A_127 = tpu.memref_slice %arg2[%add3A_64] : memref<20480xf32, #tpu.memory_space<hbm>> -> memref<32xf32, #tpu.memory_space<hbm>>
    tpu.wait_dma2 semaphore(%arg8 : memref<!tpu.dma_semaphore, #tpu.memory_space<semaphore_mem>>) src(%dma_wait3A_127 : memref<32xf32, #tpu.memory_space<hbm>>) dst(%dma_wait3A_126 : memref<32xf32, #tpu.memory_space<vmem>>)
    %dma_wait3A_128 = arith.constant 3 : i32
    %dma_wait3A_129 = arith.constant 0 : i32
    %dma_wait3A_130 = tpu.memref_slice %arg5[%dma_wait3A_128, %dma_wait3A_129] : memref<5x32xf32, #tpu.memory_space<vmem>> -> memref<1x32xf32, #tpu.memory_space<vmem>>
    %dma_wait3A_131 = tpu.memref_squeeze %dma_wait3A_130 : memref<1x32xf32, #tpu.memory_space<vmem>> -> memref<32xf32, #tpu.memory_space<vmem>>
    %dma_wait3A_132 = tpu.memref_slice %arg2[%add3A_78] : memref<20480xf32, #tpu.memory_space<hbm>> -> memref<32xf32, #tpu.memory_space<hbm>>
    %dma_wait3A_133 = arith.constant 0 : i32
    %dma_wait3A_134 = tpu.memref_slice %arg5[%dma_wait3A_128, %dma_wait3A_133] : memref<5x32xf32, #tpu.memory_space<vmem>> -> memref<1x32xf32, #tpu.memory_space<vmem>>
    %dma_wait3A_135 = tpu.memref_squeeze %dma_wait3A_134 : memref<1x32xf32, #tpu.memory_space<vmem>> -> memref<32xf32, #tpu.memory_space<vmem>>
    %dma_wait3A_136 = tpu.memref_slice %arg2[%add3A_78] : memref<20480xf32, #tpu.memory_space<hbm>> -> memref<32xf32, #tpu.memory_space<hbm>>
    tpu.wait_dma2 semaphore(%arg8 : memref<!tpu.dma_semaphore, #tpu.memory_space<semaphore_mem>>) src(%dma_wait3A_136 : memref<32xf32, #tpu.memory_space<hbm>>) dst(%dma_wait3A_135 : memref<32xf32, #tpu.memory_space<vmem>>)
    %dma_wait3A_137 = arith.constant 4 : i32
    %dma_wait3A_138 = arith.constant 0 : i32
    %dma_wait3A_139 = tpu.memref_slice %arg5[%dma_wait3A_137, %dma_wait3A_138] : memref<5x32xf32, #tpu.memory_space<vmem>> -> memref<1x32xf32, #tpu.memory_space<vmem>>
    %dma_wait3A_140 = tpu.memref_squeeze %dma_wait3A_139 : memref<1x32xf32, #tpu.memory_space<vmem>> -> memref<32xf32, #tpu.memory_space<vmem>>
    %dma_wait3A_141 = tpu.memref_slice %arg2[%add3A_92] : memref<20480xf32, #tpu.memory_space<hbm>> -> memref<32xf32, #tpu.memory_space<hbm>>
    %dma_wait3A_142 = arith.constant 0 : i32
    %dma_wait3A_143 = tpu.memref_slice %arg5[%dma_wait3A_137, %dma_wait3A_142] : memref<5x32xf32, #tpu.memory_space<vmem>> -> memref<1x32xf32, #tpu.memory_space<vmem>>
    %dma_wait3A_144 = tpu.memref_squeeze %dma_wait3A_143 : memref<1x32xf32, #tpu.memory_space<vmem>> -> memref<32xf32, #tpu.memory_space<vmem>>
    %dma_wait3A_145 = tpu.memref_slice %arg2[%add3A_92] : memref<20480xf32, #tpu.memory_space<hbm>> -> memref<32xf32, #tpu.memory_space<hbm>>
    tpu.wait_dma2 semaphore(%arg8 : memref<!tpu.dma_semaphore, #tpu.memory_space<semaphore_mem>>) src(%dma_wait3A_145 : memref<32xf32, #tpu.memory_space<hbm>>) dst(%dma_wait3A_144 : memref<32xf32, #tpu.memory_space<vmem>>)
    tpu.wait_dma2 semaphore(%arg8 : memref<!tpu.dma_semaphore, #tpu.memory_space<semaphore_mem>>) src(%arg3 : memref<32xf32, #tpu.memory_space<hbm>>) dst(%arg6 : memref<32xf32, #tpu.memory_space<vmem>>)
    %get3A = arith.constant 0 : index
    %get3A_146 = tpu.vector_load %arg6[%get3A] {strides = array<i32>} : memref<32xf32, #tpu.memory_space<vmem>>, vector<16xf32>,
    %get3A_147 = vector.shape_cast %get3A_146 : vector<16xf32> to vector<16xf32>
    %get3A_148 = arith.constant 16 : index
    %get3A_149 = tpu.vector_load %arg6[%get3A_148] {strides = array<i32>} : memref<32xf32, #tpu.memory_space<vmem>>, vector<16xf32>,
    %get3A_150 = vector.shape_cast %get3A_149 : vector<16xf32> to vector<16xf32>
    %slice3A = vector.extract_strided_slice %get3A_150 {offsets = [0], sizes = [1], strides = [1]} : vector<16xf32> to vector<1xf32>
    %squeeze3A = vector.extract %slice3A[0] : f32 from vector<1xf32>
    %slice3A_151 = vector.extract_strided_slice %get3A_147 {offsets = [0], sizes = [1], strides = [1]} : vector<16xf32> to vector<1xf32>
    %squeeze3A_152 = vector.extract %slice3A_151[0] : f32 from vector<1xf32>
    %mul3A_153 = arith.mulf %squeeze3A, %squeeze3A_152 : f32
    %slice3A_154 = vector.extract_strided_slice %get3A_150 {offsets = [1], sizes = [1], strides = [1]} : vector<16xf32> to vector<1xf32>
    %squeeze3A_155 = vector.extract %slice3A_154[0] : f32 from vector<1xf32>
    %slice3A_156 = vector.extract_strided_slice %get3A_147 {offsets = [4], sizes = [1], strides = [1]} : vector<16xf32> to vector<1xf32>
    %squeeze3A_157 = vector.extract %slice3A_156[0] : f32 from vector<1xf32>
    %mul3A_158 = arith.mulf %squeeze3A_155, %squeeze3A_157 : f32
    %add3A_159 = arith.addf %mul3A_153, %mul3A_158 : f32
    %slice3A_160 = vector.extract_strided_slice %get3A_150 {offsets = [2], sizes = [1], strides = [1]} : vector<16xf32> to vector<1xf32>
    %squeeze3A_161 = vector.extract %slice3A_160[0] : f32 from vector<1xf32>
    %slice3A_162 = vector.extract_strided_slice %get3A_147 {offsets = [8], sizes = [1], strides = [1]} : vector<16xf32> to vector<1xf32>
    %squeeze3A_163 = vector.extract %slice3A_162[0] : f32 from vector<1xf32>
    %mul3A_164 = arith.mulf %squeeze3A_161, %squeeze3A_163 : f32
    %add3A_165 = arith.addf %add3A_159, %mul3A_164 : f32
    %slice3A_166 = vector.extract_strided_slice %get3A_150 {offsets = [3], sizes = [1], strides = [1]} : vector<16xf32> to vector<1xf32>
    %squeeze3A_167 = vector.extract %slice3A_166[0] : f32 from vector<1xf32>
    %slice3A_168 = vector.extract_strided_slice %get3A_147 {offsets = [12], sizes = [1], strides = [1]} : vector<16xf32> to vector<1xf32>
    %squeeze3A_169 = vector.extract %slice3A_168[0] : f32 from vector<1xf32>
    %mul3A_170 = arith.mulf %squeeze3A_167, %squeeze3A_169 : f32
    %add3A_171 = arith.addf %add3A_165, %mul3A_170 : f32
    %slice3A_172 = vector.extract_strided_slice %get3A_150 {offsets = [0], sizes = [1], strides = [1]} : vector<16xf32> to vector<1xf32>
    %squeeze3A_173 = vector.extract %slice3A_172[0] : f32 from vector<1xf32>
    %slice3A_174 = vector.extract_strided_slice %get3A_147 {offsets = [1], sizes = [1], strides = [1]} : vector<16xf32> to vector<1xf32>
    %squeeze3A_175 = vector.extract %slice3A_174[0] : f32 from vector<1xf32>
    %mul3A_176 = arith.mulf %squeeze3A_173, %squeeze3A_175 : f32
    %slice3A_177 = vector.extract_strided_slice %get3A_150 {offsets = [1], sizes = [1], strides = [1]} : vector<16xf32> to vector<1xf32>
    %squeeze3A_178 = vector.extract %slice3A_177[0] : f32 from vector<1xf32>
    %slice3A_179 = vector.extract_strided_slice %get3A_147 {offsets = [5], sizes = [1], strides = [1]} : vector<16xf32> to vector<1xf32>
    %squeeze3A_180 = vector.extract %slice3A_179[0] : f32 from vector<1xf32>
    %mul3A_181 = arith.mulf %squeeze3A_178, %squeeze3A_180 : f32
    %add3A_182 = arith.addf %mul3A_176, %mul3A_181 : f32
    %slice3A_183 = vector.extract_strided_slice %get3A_150 {offsets = [2], sizes = [1], strides = [1]} : vector<16xf32> to vector<1xf32>
    %squeeze3A_184 = vector.extract %slice3A_183[0] : f32 from vector<1xf32>
    %slice3A_185 = vector.extract_strided_slice %get3A_147 {offsets = [9], sizes = [1], strides = [1]} : vector<16xf32> to vector<1xf32>
    %squeeze3A_186 = vector.extract %slice3A_185[0] : f32 from vector<1xf32>
    %mul3A_187 = arith.mulf %squeeze3A_184, %squeeze3A_186 : f32
    %add3A_188 = arith.addf %add3A_182, %mul3A_187 : f32
    %slice3A_189 = vector.extract_strided_slice %get3A_150 {offsets = [3], sizes = [1], strides = [1]} : vector<16xf32> to vector<1xf32>
    %squeeze3A_190 = vector.extract %slice3A_189[0] : f32 from vector<1xf32>
    %slice3A_191 = vector.extract_strided_slice %get3A_147 {offsets = [13], sizes = [1], strides = [1]} : vector<16xf32> to vector<1xf32>
    %squeeze3A_192 = vector.extract %slice3A_191[0] : f32 from vector<1xf32>
    %mul3A_193 = arith.mulf %squeeze3A_190, %squeeze3A_192 : f32
    %add3A_194 = arith.addf %add3A_188, %mul3A_193 : f32
    %slice3A_195 = vector.extract_strided_slice %get3A_150 {offsets = [0], sizes = [1], strides = [1]} : vector<16xf32> to vector<1xf32>
    %squeeze3A_196 = vector.extract %slice3A_195[0] : f32 from vector<1xf32>
    %slice3A_197 = vector.extract_strided_slice %get3A_147 {offsets = [2], sizes = [1], strides = [1]} : vector<16xf32> to vector<1xf32>
    %squeeze3A_198 = vector.extract %slice3A_197[0] : f32 from vector<1xf32>
    %mul3A_199 = arith.mulf %squeeze3A_196, %squeeze3A_198 : f32
    %slice3A_200 = vector.extract_strided_slice %get3A_150 {offsets = [1], sizes = [1], strides = [1]} : vector<16xf32> to vector<1xf32>
    %squeeze3A_201 = vector.extract %slice3A_200[0] : f32 from vector<1xf32>
    %slice3A_202 = vector.extract_strided_slice %get3A_147 {offsets = [6], sizes = [1], strides = [1]} : vector<16xf32> to vector<1xf32>
    %squeeze3A_203 = vector.extract %slice3A_202[0] : f32 from vector<1xf32>
    %mul3A_204 = arith.mulf %squeeze3A_201, %squeeze3A_203 : f32
    %add3A_205 = arith.addf %mul3A_199, %mul3A_204 : f32
    %slice3A_206 = vector.extract_strided_slice %get3A_150 {offsets = [2], sizes = [1], strides = [1]} : vector<16xf32> to vector<1xf32>
    %squeeze3A_207 = vector.extract %slice3A_206[0] : f32 from vector<1xf32>
    %slice3A_208 = vector.extract_strided_slice %get3A_147 {offsets = [10], sizes = [1], strides = [1]} : vector<16xf32> to vector<1xf32>
    %squeeze3A_209 = vector.extract %slice3A_208[0] : f32 from vector<1xf32>
    %mul3A_210 = arith.mulf %squeeze3A_207, %squeeze3A_209 : f32
    %add3A_211 = arith.addf %add3A_205, %mul3A_210 : f32
    %slice3A_212 = vector.extract_strided_slice %get3A_150 {offsets = [3], sizes = [1], strides = [1]} : vector<16xf32> to vector<1xf32>
    %squeeze3A_213 = vector.extract %slice3A_212[0] : f32 from vector<1xf32>
    %slice3A_214 = vector.extract_strided_slice %get3A_147 {offsets = [14], sizes = [1], strides = [1]} : vector<16xf32> to vector<1xf32>
    %squeeze3A_215 = vector.extract %slice3A_214[0] : f32 from vector<1xf32>
    %mul3A_216 = arith.mulf %squeeze3A_213, %squeeze3A_215 : f32
    %add3A_217 = arith.addf %add3A_211, %mul3A_216 : f32
    %slice3A_218 = vector.extract_strided_slice %get3A_150 {offsets = [0], sizes = [1], strides = [1]} : vector<16xf32> to vector<1xf32>
    %squeeze3A_219 = vector.extract %slice3A_218[0] : f32 from vector<1xf32>
    %slice3A_220 = vector.extract_strided_slice %get3A_147 {offsets = [3], sizes = [1], strides = [1]} : vector<16xf32> to vector<1xf32>
    %squeeze3A_221 = vector.extract %slice3A_220[0] : f32 from vector<1xf32>
    %mul3A_222 = arith.mulf %squeeze3A_219, %squeeze3A_221 : f32
    %slice3A_223 = vector.extract_strided_slice %get3A_150 {offsets = [1], sizes = [1], strides = [1]} : vector<16xf32> to vector<1xf32>
    %squeeze3A_224 = vector.extract %slice3A_223[0] : f32 from vector<1xf32>
    %slice3A_225 = vector.extract_strided_slice %get3A_147 {offsets = [7], sizes = [1], strides = [1]} : vector<16xf32> to vector<1xf32>
    %squeeze3A_226 = vector.extract %slice3A_225[0] : f32 from vector<1xf32>
    %mul3A_227 = arith.mulf %squeeze3A_224, %squeeze3A_226 : f32
    %add3A_228 = arith.addf %mul3A_222, %mul3A_227 : f32
    %slice3A_229 = vector.extract_strided_slice %get3A_150 {offsets = [2], sizes = [1], strides = [1]} : vector<16xf32> to vector<1xf32>
    %squeeze3A_230 = vector.extract %slice3A_229[0] : f32 from vector<1xf32>
    %slice3A_231 = vector.extract_strided_slice %get3A_147 {offsets = [11], sizes = [1], strides = [1]} : vector<16xf32> to vector<1xf32>
    %squeeze3A_232 = vector.extract %slice3A_231[0] : f32 from vector<1xf32>
    %mul3A_233 = arith.mulf %squeeze3A_230, %squeeze3A_232 : f32
    %add3A_234 = arith.addf %add3A_228, %mul3A_233 : f32
    %slice3A_235 = vector.extract_strided_slice %get3A_150 {offsets = [3], sizes = [1], strides = [1]} : vector<16xf32> to vector<1xf32>
    %squeeze3A_236 = vector.extract %slice3A_235[0] : f32 from vector<1xf32>
    %slice3A_237 = vector.extract_strided_slice %get3A_147 {offsets = [15], sizes = [1], strides = [1]} : vector<16xf32> to vector<1xf32>
    %squeeze3A_238 = vector.extract %slice3A_237[0] : f32 from vector<1xf32>
    %mul3A_239 = arith.mulf %squeeze3A_236, %squeeze3A_238 : f32
    %add3A_240 = arith.addf %add3A_234, %mul3A_239 : f32
    %slice3A_241 = vector.extract_strided_slice %get3A_150 {offsets = [4], sizes = [1], strides = [1]} : vector<16xf32> to vector<1xf32>
    %squeeze3A_242 = vector.extract %slice3A_241[0] : f32 from vector<1xf32>
    %slice3A_243 = vector.extract_strided_slice %get3A_147 {offsets = [0], sizes = [1], strides = [1]} : vector<16xf32> to vector<1xf32>
    %squeeze3A_244 = vector.extract %slice3A_243[0] : f32 from vector<1xf32>
    %mul3A_245 = arith.mulf %squeeze3A_242, %squeeze3A_244 : f32
    %slice3A_246 = vector.extract_strided_slice %get3A_150 {offsets = [5], sizes = [1], strides = [1]} : vector<16xf32> to vector<1xf32>
    %squeeze3A_247 = vector.extract %slice3A_246[0] : f32 from vector<1xf32>
    %slice3A_248 = vector.extract_strided_slice %get3A_147 {offsets = [4], sizes = [1], strides = [1]} : vector<16xf32> to vector<1xf32>
    %squeeze3A_249 = vector.extract %slice3A_248[0] : f32 from vector<1xf32>
    %mul3A_250 = arith.mulf %squeeze3A_247, %squeeze3A_249 : f32
    %add3A_251 = arith.addf %mul3A_245, %mul3A_250 : f32
    %slice3A_252 = vector.extract_strided_slice %get3A_150 {offsets = [6], sizes = [1], strides = [1]} : vector<16xf32> to vector<1xf32>
    %squeeze3A_253 = vector.extract %slice3A_252[0] : f32 from vector<1xf32>
    %slice3A_254 = vector.extract_strided_slice %get3A_147 {offsets = [8], sizes = [1], strides = [1]} : vector<16xf32> to vector<1xf32>
    %squeeze3A_255 = vector.extract %slice3A_254[0] : f32 from vector<1xf32>
    %mul3A_256 = arith.mulf %squeeze3A_253, %squeeze3A_255 : f32
    %add3A_257 = arith.addf %add3A_251, %mul3A_256 : f32
    %slice3A_258 = vector.extract_strided_slice %get3A_150 {offsets = [7], sizes = [1], strides = [1]} : vector<16xf32> to vector<1xf32>
    %squeeze3A_259 = vector.extract %slice3A_258[0] : f32 from vector<1xf32>
    %slice3A_260 = vector.extract_strided_slice %get3A_147 {offsets = [12], sizes = [1], strides = [1]} : vector<16xf32> to vector<1xf32>
    %squeeze3A_261 = vector.extract %slice3A_260[0] : f32 from vector<1xf32>
    %mul3A_262 = arith.mulf %squeeze3A_259, %squeeze3A_261 : f32
    %add3A_263 = arith.addf %add3A_257, %mul3A_262 : f32
    %slice3A_264 = vector.extract_strided_slice %get3A_150 {offsets = [4], sizes = [1], strides = [1]} : vector<16xf32> to vector<1xf32>
    %squeeze3A_265 = vector.extract %slice3A_264[0] : f32 from vector<1xf32>
    %slice3A_266 = vector.extract_strided_slice %get3A_147 {offsets = [1], sizes = [1], strides = [1]} : vector<16xf32> to vector<1xf32>
    %squeeze3A_267 = vector.extract %slice3A_266[0] : f32 from vector<1xf32>
    %mul3A_268 = arith.mulf %squeeze3A_265, %squeeze3A_267 : f32
    %slice3A_269 = vector.extract_strided_slice %get3A_150 {offsets = [5], sizes = [1], strides = [1]} : vector<16xf32> to vector<1xf32>
    %squeeze3A_270 = vector.extract %slice3A_269[0] : f32 from vector<1xf32>
    %slice3A_271 = vector.extract_strided_slice %get3A_147 {offsets = [5], sizes = [1], strides = [1]} : vector<16xf32> to vector<1xf32>
    %squeeze3A_272 = vector.extract %slice3A_271[0] : f32 from vector<1xf32>
    %mul3A_273 = arith.mulf %squeeze3A_270, %squeeze3A_272 : f32
    %add3A_274 = arith.addf %mul3A_268, %mul3A_273 : f32
    %slice3A_275 = vector.extract_strided_slice %get3A_150 {offsets = [6], sizes = [1], strides = [1]} : vector<16xf32> to vector<1xf32>
    %squeeze3A_276 = vector.extract %slice3A_275[0] : f32 from vector<1xf32>
    %slice3A_277 = vector.extract_strided_slice %get3A_147 {offsets = [9], sizes = [1], strides = [1]} : vector<16xf32> to vector<1xf32>
    %squeeze3A_278 = vector.extract %slice3A_277[0] : f32 from vector<1xf32>
    %mul3A_279 = arith.mulf %squeeze3A_276, %squeeze3A_278 : f32
    %add3A_280 = arith.addf %add3A_274, %mul3A_279 : f32
    %slice3A_281 = vector.extract_strided_slice %get3A_150 {offsets = [7], sizes = [1], strides = [1]} : vector<16xf32> to vector<1xf32>
    %squeeze3A_282 = vector.extract %slice3A_281[0] : f32 from vector<1xf32>
    %slice3A_283 = vector.extract_strided_slice %get3A_147 {offsets = [13], sizes = [1], strides = [1]} : vector<16xf32> to vector<1xf32>
    %squeeze3A_284 = vector.extract %slice3A_283[0] : f32 from vector<1xf32>
    %mul3A_285 = arith.mulf %squeeze3A_282, %squeeze3A_284 : f32
    %add3A_286 = arith.addf %add3A_280, %mul3A_285 : f32
    %slice3A_287 = vector.extract_strided_slice %get3A_150 {offsets = [4], sizes = [1], strides = [1]} : vector<16xf32> to vector<1xf32>
    %squeeze3A_288 = vector.extract %slice3A_287[0] : f32 from vector<1xf32>
    %slice3A_289 = vector.extract_strided_slice %get3A_147 {offsets = [2], sizes = [1], strides = [1]} : vector<16xf32> to vector<1xf32>
    %squeeze3A_290 = vector.extract %slice3A_289[0] : f32 from vector<1xf32>
    %mul3A_291 = arith.mulf %squeeze3A_288, %squeeze3A_290 : f32
    %slice3A_292 = vector.extract_strided_slice %get3A_150 {offsets = [5], sizes = [1], strides = [1]} : vector<16xf32> to vector<1xf32>
    %squeeze3A_293 = vector.extract %slice3A_292[0] : f32 from vector<1xf32>
    %slice3A_294 = vector.extract_strided_slice %get3A_147 {offsets = [6], sizes = [1], strides = [1]} : vector<16xf32> to vector<1xf32>
    %squeeze3A_295 = vector.extract %slice3A_294[0] : f32 from vector<1xf32>
    %mul3A_296 = arith.mulf %squeeze3A_293, %squeeze3A_295 : f32
    %add3A_297 = arith.addf %mul3A_291, %mul3A_296 : f32
    %slice3A_298 = vector.extract_strided_slice %get3A_150 {offsets = [6], sizes = [1], strides = [1]} : vector<16xf32> to vector<1xf32>
    %squeeze3A_299 = vector.extract %slice3A_298[0] : f32 from vector<1xf32>
    %slice3A_300 = vector.extract_strided_slice %get3A_147 {offsets = [10], sizes = [1], strides = [1]} : vector<16xf32> to vector<1xf32>
    %squeeze3A_301 = vector.extract %slice3A_300[0] : f32 from vector<1xf32>
    %mul3A_302 = arith.mulf %squeeze3A_299, %squeeze3A_301 : f32
    %add3A_303 = arith.addf %add3A_297, %mul3A_302 : f32
    %slice3A_304 = vector.extract_strided_slice %get3A_150 {offsets = [7], sizes = [1], strides = [1]} : vector<16xf32> to vector<1xf32>
    %squeeze3A_305 = vector.extract %slice3A_304[0] : f32 from vector<1xf32>
    %slice3A_306 = vector.extract_strided_slice %get3A_147 {offsets = [14], sizes = [1], strides = [1]} : vector<16xf32> to vector<1xf32>
    %squeeze3A_307 = vector.extract %slice3A_306[0] : f32 from vector<1xf32>
    %mul3A_308 = arith.mulf %squeeze3A_305, %squeeze3A_307 : f32
    %add3A_309 = arith.addf %add3A_303, %mul3A_308 : f32
    %slice3A_310 = vector.extract_strided_slice %get3A_150 {offsets = [4], sizes = [1], strides = [1]} : vector<16xf32> to vector<1xf32>
    %squeeze3A_311 = vector.extract %slice3A_310[0] : f32 from vector<1xf32>
    %slice3A_312 = vector.extract_strided_slice %get3A_147 {offsets = [3], sizes = [1], strides = [1]} : vector<16xf32> to vector<1xf32>
    %squeeze3A_313 = vector.extract %slice3A_312[0] : f32 from vector<1xf32>
    %mul3A_314 = arith.mulf %squeeze3A_311, %squeeze3A_313 : f32
    %slice3A_315 = vector.extract_strided_slice %get3A_150 {offsets = [5], sizes = [1], strides = [1]} : vector<16xf32> to vector<1xf32>
    %squeeze3A_316 = vector.extract %slice3A_315[0] : f32 from vector<1xf32>
    %slice3A_317 = vector.extract_strided_slice %get3A_147 {offsets = [7], sizes = [1], strides = [1]} : vector<16xf32> to vector<1xf32>
    %squeeze3A_318 = vector.extract %slice3A_317[0] : f32 from vector<1xf32>
    %mul3A_319 = arith.mulf %squeeze3A_316, %squeeze3A_318 : f32
    %add3A_320 = arith.addf %mul3A_314, %mul3A_319 : f32
    %slice3A_321 = vector.extract_strided_slice %get3A_150 {offsets = [6], sizes = [1], strides = [1]} : vector<16xf32> to vector<1xf32>
    %squeeze3A_322 = vector.extract %slice3A_321[0] : f32 from vector<1xf32>
    %slice3A_323 = vector.extract_strided_slice %get3A_147 {offsets = [11], sizes = [1], strides = [1]} : vector<16xf32> to vector<1xf32>
    %squeeze3A_324 = vector.extract %slice3A_323[0] : f32 from vector<1xf32>
    %mul3A_325 = arith.mulf %squeeze3A_322, %squeeze3A_324 : f32
    %add3A_326 = arith.addf %add3A_320, %mul3A_325 : f32
    %slice3A_327 = vector.extract_strided_slice %get3A_150 {offsets = [7], sizes = [1], strides = [1]} : vector<16xf32> to vector<1xf32>
    %squeeze3A_328 = vector.extract %slice3A_327[0] : f32 from vector<1xf32>
    %slice3A_329 = vector.extract_strided_slice %get3A_147 {offsets = [15], sizes = [1], strides = [1]} : vector<16xf32> to vector<1xf32>
    %squeeze3A_330 = vector.extract %slice3A_329[0] : f32 from vector<1xf32>
    %mul3A_331 = arith.mulf %squeeze3A_328, %squeeze3A_330 : f32
    %add3A_332 = arith.addf %add3A_326, %mul3A_331 : f32
    %slice3A_333 = vector.extract_strided_slice %get3A_150 {offsets = [8], sizes = [1], strides = [1]} : vector<16xf32> to vector<1xf32>
    %squeeze3A_334 = vector.extract %slice3A_333[0] : f32 from vector<1xf32>
    %slice3A_335 = vector.extract_strided_slice %get3A_147 {offsets = [0], sizes = [1], strides = [1]} : vector<16xf32> to vector<1xf32>
    %squeeze3A_336 = vector.extract %slice3A_335[0] : f32 from vector<1xf32>
    %mul3A_337 = arith.mulf %squeeze3A_334, %squeeze3A_336 : f32
    %slice3A_338 = vector.extract_strided_slice %get3A_150 {offsets = [9], sizes = [1], strides = [1]} : vector<16xf32> to vector<1xf32>
    %squeeze3A_339 = vector.extract %slice3A_338[0] : f32 from vector<1xf32>
    %slice3A_340 = vector.extract_strided_slice %get3A_147 {offsets = [4], sizes = [1], strides = [1]} : vector<16xf32> to vector<1xf32>
    %squeeze3A_341 = vector.extract %slice3A_340[0] : f32 from vector<1xf32>
    %mul3A_342 = arith.mulf %squeeze3A_339, %squeeze3A_341 : f32
    %add3A_343 = arith.addf %mul3A_337, %mul3A_342 : f32
    %slice3A_344 = vector.extract_strided_slice %get3A_150 {offsets = [10], sizes = [1], strides = [1]} : vector<16xf32> to vector<1xf32>
    %squeeze3A_345 = vector.extract %slice3A_344[0] : f32 from vector<1xf32>
    %slice3A_346 = vector.extract_strided_slice %get3A_147 {offsets = [8], sizes = [1], strides = [1]} : vector<16xf32> to vector<1xf32>
    %squeeze3A_347 = vector.extract %slice3A_346[0] : f32 from vector<1xf32>
    %mul3A_348 = arith.mulf %squeeze3A_345, %squeeze3A_347 : f32
    %add3A_349 = arith.addf %add3A_343, %mul3A_348 : f32
    %slice3A_350 = vector.extract_strided_slice %get3A_150 {offsets = [11], sizes = [1], strides = [1]} : vector<16xf32> to vector<1xf32>
    %squeeze3A_351 = vector.extract %slice3A_350[0] : f32 from vector<1xf32>
    %slice3A_352 = vector.extract_strided_slice %get3A_147 {offsets = [12], sizes = [1], strides = [1]} : vector<16xf32> to vector<1xf32>
    %squeeze3A_353 = vector.extract %slice3A_352[0] : f32 from vector<1xf32>
    %mul3A_354 = arith.mulf %squeeze3A_351, %squeeze3A_353 : f32
    %add3A_355 = arith.addf %add3A_349, %mul3A_354 : f32
    %slice3A_356 = vector.extract_strided_slice %get3A_150 {offsets = [8], sizes = [1], strides = [1]} : vector<16xf32> to vector<1xf32>
    %squeeze3A_357 = vector.extract %slice3A_356[0] : f32 from vector<1xf32>
    %slice3A_358 = vector.extract_strided_slice %get3A_147 {offsets = [1], sizes = [1], strides = [1]} : vector<16xf32> to vector<1xf32>
    %squeeze3A_359 = vector.extract %slice3A_358[0] : f32 from vector<1xf32>
    %mul3A_360 = arith.mulf %squeeze3A_357, %squeeze3A_359 : f32
    %slice3A_361 = vector.extract_strided_slice %get3A_150 {offsets = [9], sizes = [1], strides = [1]} : vector<16xf32> to vector<1xf32>
    %squeeze3A_362 = vector.extract %slice3A_361[0] : f32 from vector<1xf32>
    %slice3A_363 = vector.extract_strided_slice %get3A_147 {offsets = [5], sizes = [1], strides = [1]} : vector<16xf32> to vector<1xf32>
    %squeeze3A_364 = vector.extract %slice3A_363[0] : f32 from vector<1xf32>
    %mul3A_365 = arith.mulf %squeeze3A_362, %squeeze3A_364 : f32
    %add3A_366 = arith.addf %mul3A_360, %mul3A_365 : f32
    %slice3A_367 = vector.extract_strided_slice %get3A_150 {offsets = [10], sizes = [1], strides = [1]} : vector<16xf32> to vector<1xf32>
    %squeeze3A_368 = vector.extract %slice3A_367[0] : f32 from vector<1xf32>
    %slice3A_369 = vector.extract_strided_slice %get3A_147 {offsets = [9], sizes = [1], strides = [1]} : vector<16xf32> to vector<1xf32>
    %squeeze3A_370 = vector.extract %slice3A_369[0] : f32 from vector<1xf32>
    %mul3A_371 = arith.mulf %squeeze3A_368, %squeeze3A_370 : f32
    %add3A_372 = arith.addf %add3A_366, %mul3A_371 : f32
    %slice3A_373 = vector.extract_strided_slice %get3A_150 {offsets = [11], sizes = [1], strides = [1]} : vector<16xf32> to vector<1xf32>
    %squeeze3A_374 = vector.extract %slice3A_373[0] : f32 from vector<1xf32>
    %slice3A_375 = vector.extract_strided_slice %get3A_147 {offsets = [13], sizes = [1], strides = [1]} : vector<16xf32> to vector<1xf32>
    %squeeze3A_376 = vector.extract %slice3A_375[0] : f32 from vector<1xf32>
    %mul3A_377 = arith.mulf %squeeze3A_374, %squeeze3A_376 : f32
    %add3A_378 = arith.addf %add3A_372, %mul3A_377 : f32
    %slice3A_379 = vector.extract_strided_slice %get3A_150 {offsets = [8], sizes = [1], strides = [1]} : vector<16xf32> to vector<1xf32>
    %squeeze3A_380 = vector.extract %slice3A_379[0] : f32 from vector<1xf32>
    %slice3A_381 = vector.extract_strided_slice %get3A_147 {offsets = [2], sizes = [1], strides = [1]} : vector<16xf32> to vector<1xf32>
    %squeeze3A_382 = vector.extract %slice3A_381[0] : f32 from vector<1xf32>
    %mul3A_383 = arith.mulf %squeeze3A_380, %squeeze3A_382 : f32
    %slice3A_384 = vector.extract_strided_slice %get3A_150 {offsets = [9], sizes = [1], strides = [1]} : vector<16xf32> to vector<1xf32>
    %squeeze3A_385 = vector.extract %slice3A_384[0] : f32 from vector<1xf32>
    %slice3A_386 = vector.extract_strided_slice %get3A_147 {offsets = [6], sizes = [1], strides = [1]} : vector<16xf32> to vector<1xf32>
    %squeeze3A_387 = vector.extract %slice3A_386[0] : f32 from vector<1xf32>
    %mul3A_388 = arith.mulf %squeeze3A_385, %squeeze3A_387 : f32
    %add3A_389 = arith.addf %mul3A_383, %mul3A_388 : f32
    %slice3A_390 = vector.extract_strided_slice %get3A_150 {offsets = [10], sizes = [1], strides = [1]} : vector<16xf32> to vector<1xf32>
    %squeeze3A_391 = vector.extract %slice3A_390[0] : f32 from vector<1xf32>
    %slice3A_392 = vector.extract_strided_slice %get3A_147 {offsets = [10], sizes = [1], strides = [1]} : vector<16xf32> to vector<1xf32>
    %squeeze3A_393 = vector.extract %slice3A_392[0] : f32 from vector<1xf32>
    %mul3A_394 = arith.mulf %squeeze3A_391, %squeeze3A_393 : f32
    %add3A_395 = arith.addf %add3A_389, %mul3A_394 : f32
    %slice3A_396 = vector.extract_strided_slice %get3A_150 {offsets = [11], sizes = [1], strides = [1]} : vector<16xf32> to vector<1xf32>
    %squeeze3A_397 = vector.extract %slice3A_396[0] : f32 from vector<1xf32>
    %slice3A_398 = vector.extract_strided_slice %get3A_147 {offsets = [14], sizes = [1], strides = [1]} : vector<16xf32> to vector<1xf32>
    %squeeze3A_399 = vector.extract %slice3A_398[0] : f32 from vector<1xf32>
    %mul3A_400 = arith.mulf %squeeze3A_397, %squeeze3A_399 : f32
    %add3A_401 = arith.addf %add3A_395, %mul3A_400 : f32
    %slice3A_402 = vector.extract_strided_slice %get3A_150 {offsets = [8], sizes = [1], strides = [1]} : vector<16xf32> to vector<1xf32>
    %squeeze3A_403 = vector.extract %slice3A_402[0] : f32 from vector<1xf32>
    %slice3A_404 = vector.extract_strided_slice %get3A_147 {offsets = [3], sizes = [1], strides = [1]} : vector<16xf32> to vector<1xf32>
    %squeeze3A_405 = vector.extract %slice3A_404[0] : f32 from vector<1xf32>
    %mul3A_406 = arith.mulf %squeeze3A_403, %squeeze3A_405 : f32
    %slice3A_407 = vector.extract_strided_slice %get3A_150 {offsets = [9], sizes = [1], strides = [1]} : vector<16xf32> to vector<1xf32>
    %squeeze3A_408 = vector.extract %slice3A_407[0] : f32 from vector<1xf32>
    %slice3A_409 = vector.extract_strided_slice %get3A_147 {offsets = [7], sizes = [1], strides = [1]} : vector<16xf32> to vector<1xf32>
    %squeeze3A_410 = vector.extract %slice3A_409[0] : f32 from vector<1xf32>
    %mul3A_411 = arith.mulf %squeeze3A_408, %squeeze3A_410 : f32
    %add3A_412 = arith.addf %mul3A_406, %mul3A_411 : f32
    %slice3A_413 = vector.extract_strided_slice %get3A_150 {offsets = [10], sizes = [1], strides = [1]} : vector<16xf32> to vector<1xf32>
    %squeeze3A_414 = vector.extract %slice3A_413[0] : f32 from vector<1xf32>
    %slice3A_415 = vector.extract_strided_slice %get3A_147 {offsets = [11], sizes = [1], strides = [1]} : vector<16xf32> to vector<1xf32>
    %squeeze3A_416 = vector.extract %slice3A_415[0] : f32 from vector<1xf32>
    %mul3A_417 = arith.mulf %squeeze3A_414, %squeeze3A_416 : f32
    %add3A_418 = arith.addf %add3A_412, %mul3A_417 : f32
    %slice3A_419 = vector.extract_strided_slice %get3A_150 {offsets = [11], sizes = [1], strides = [1]} : vector<16xf32> to vector<1xf32>
    %squeeze3A_420 = vector.extract %slice3A_419[0] : f32 from vector<1xf32>
    %slice3A_421 = vector.extract_strided_slice %get3A_147 {offsets = [15], sizes = [1], strides = [1]} : vector<16xf32> to vector<1xf32>
    %squeeze3A_422 = vector.extract %slice3A_421[0] : f32 from vector<1xf32>
    %mul3A_423 = arith.mulf %squeeze3A_420, %squeeze3A_422 : f32
    %add3A_424 = arith.addf %add3A_418, %mul3A_423 : f32
    %slice3A_425 = vector.extract_strided_slice %get3A_150 {offsets = [12], sizes = [1], strides = [1]} : vector<16xf32> to vector<1xf32>
    %squeeze3A_426 = vector.extract %slice3A_425[0] : f32 from vector<1xf32>
    %slice3A_427 = vector.extract_strided_slice %get3A_147 {offsets = [0], sizes = [1], strides = [1]} : vector<16xf32> to vector<1xf32>
    %squeeze3A_428 = vector.extract %slice3A_427[0] : f32 from vector<1xf32>
    %mul3A_429 = arith.mulf %squeeze3A_426, %squeeze3A_428 : f32
    %slice3A_430 = vector.extract_strided_slice %get3A_150 {offsets = [13], sizes = [1], strides = [1]} : vector<16xf32> to vector<1xf32>
    %squeeze3A_431 = vector.extract %slice3A_430[0] : f32 from vector<1xf32>
    %slice3A_432 = vector.extract_strided_slice %get3A_147 {offsets = [4], sizes = [1], strides = [1]} : vector<16xf32> to vector<1xf32>
    %squeeze3A_433 = vector.extract %slice3A_432[0] : f32 from vector<1xf32>
    %mul3A_434 = arith.mulf %squeeze3A_431, %squeeze3A_433 : f32
    %add3A_435 = arith.addf %mul3A_429, %mul3A_434 : f32
    %slice3A_436 = vector.extract_strided_slice %get3A_150 {offsets = [14], sizes = [1], strides = [1]} : vector<16xf32> to vector<1xf32>
    %squeeze3A_437 = vector.extract %slice3A_436[0] : f32 from vector<1xf32>
    %slice3A_438 = vector.extract_strided_slice %get3A_147 {offsets = [8], sizes = [1], strides = [1]} : vector<16xf32> to vector<1xf32>
    %squeeze3A_439 = vector.extract %slice3A_438[0] : f32 from vector<1xf32>
    %mul3A_440 = arith.mulf %squeeze3A_437, %squeeze3A_439 : f32
    %add3A_441 = arith.addf %add3A_435, %mul3A_440 : f32
    %slice3A_442 = vector.extract_strided_slice %get3A_150 {offsets = [15], sizes = [1], strides = [1]} : vector<16xf32> to vector<1xf32>
    %squeeze3A_443 = vector.extract %slice3A_442[0] : f32 from vector<1xf32>
    %slice3A_444 = vector.extract_strided_slice %get3A_147 {offsets = [12], sizes = [1], strides = [1]} : vector<16xf32> to vector<1xf32>
    %squeeze3A_445 = vector.extract %slice3A_444[0] : f32 from vector<1xf32>
    %mul3A_446 = arith.mulf %squeeze3A_443, %squeeze3A_445 : f32
    %add3A_447 = arith.addf %add3A_441, %mul3A_446 : f32
    %slice3A_448 = vector.extract_strided_slice %get3A_150 {offsets = [12], sizes = [1], strides = [1]} : vector<16xf32> to vector<1xf32>
    %squeeze3A_449 = vector.extract %slice3A_448[0] : f32 from vector<1xf32>
    %slice3A_450 = vector.extract_strided_slice %get3A_147 {offsets = [1], sizes = [1], strides = [1]} : vector<16xf32> to vector<1xf32>
    %squeeze3A_451 = vector.extract %slice3A_450[0] : f32 from vector<1xf32>
    %mul3A_452 = arith.mulf %squeeze3A_449, %squeeze3A_451 : f32
    %slice3A_453 = vector.extract_strided_slice %get3A_150 {offsets = [13], sizes = [1], strides = [1]} : vector<16xf32> to vector<1xf32>
    %squeeze3A_454 = vector.extract %slice3A_453[0] : f32 from vector<1xf32>
    %slice3A_455 = vector.extract_strided_slice %get3A_147 {offsets = [5], sizes = [1], strides = [1]} : vector<16xf32> to vector<1xf32>
    %squeeze3A_456 = vector.extract %slice3A_455[0] : f32 from vector<1xf32>
    %mul3A_457 = arith.mulf %squeeze3A_454, %squeeze3A_456 : f32
    %add3A_458 = arith.addf %mul3A_452, %mul3A_457 : f32
    %slice3A_459 = vector.extract_strided_slice %get3A_150 {offsets = [14], sizes = [1], strides = [1]} : vector<16xf32> to vector<1xf32>
    %squeeze3A_460 = vector.extract %slice3A_459[0] : f32 from vector<1xf32>
    %slice3A_461 = vector.extract_strided_slice %get3A_147 {offsets = [9], sizes = [1], strides = [1]} : vector<16xf32> to vector<1xf32>
    %squeeze3A_462 = vector.extract %slice3A_461[0] : f32 from vector<1xf32>
    %mul3A_463 = arith.mulf %squeeze3A_460, %squeeze3A_462 : f32
    %add3A_464 = arith.addf %add3A_458, %mul3A_463 : f32
    %slice3A_465 = vector.extract_strided_slice %get3A_150 {offsets = [15], sizes = [1], strides = [1]} : vector<16xf32> to vector<1xf32>
    %squeeze3A_466 = vector.extract %slice3A_465[0] : f32 from vector<1xf32>
    %slice3A_467 = vector.extract_strided_slice %get3A_147 {offsets = [13], sizes = [1], strides = [1]} : vector<16xf32> to vector<1xf32>
    %squeeze3A_468 = vector.extract %slice3A_467[0] : f32 from vector<1xf32>
    %mul3A_469 = arith.mulf %squeeze3A_466, %squeeze3A_468 : f32
    %add3A_470 = arith.addf %add3A_464, %mul3A_469 : f32
    %slice3A_471 = vector.extract_strided_slice %get3A_150 {offsets = [12], sizes = [1], strides = [1]} : vector<16xf32> to vector<1xf32>
    %squeeze3A_472 = vector.extract %slice3A_471[0] : f32 from vector<1xf32>
    %slice3A_473 = vector.extract_strided_slice %get3A_147 {offsets = [2], sizes = [1], strides = [1]} : vector<16xf32> to vector<1xf32>
    %squeeze3A_474 = vector.extract %slice3A_473[0] : f32 from vector<1xf32>
    %mul3A_475 = arith.mulf %squeeze3A_472, %squeeze3A_474 : f32
    %slice3A_476 = vector.extract_strided_slice %get3A_150 {offsets = [13], sizes = [1], strides = [1]} : vector<16xf32> to vector<1xf32>
    %squeeze3A_477 = vector.extract %slice3A_476[0] : f32 from vector<1xf32>
    %slice3A_478 = vector.extract_strided_slice %get3A_147 {offsets = [6], sizes = [1], strides = [1]} : vector<16xf32> to vector<1xf32>
    %squeeze3A_479 = vector.extract %slice3A_478[0] : f32 from vector<1xf32>
    %mul3A_480 = arith.mulf %squeeze3A_477, %squeeze3A_479 : f32
    %add3A_481 = arith.addf %mul3A_475, %mul3A_480 : f32
    %slice3A_482 = vector.extract_strided_slice %get3A_150 {offsets = [14], sizes = [1], strides = [1]} : vector<16xf32> to vector<1xf32>
    %squeeze3A_483 = vector.extract %slice3A_482[0] : f32 from vector<1xf32>
    %slice3A_484 = vector.extract_strided_slice %get3A_147 {offsets = [10], sizes = [1], strides = [1]} : vector<16xf32> to vector<1xf32>
    %squeeze3A_485 = vector.extract %slice3A_484[0] : f32 from vector<1xf32>
    %mul3A_486 = arith.mulf %squeeze3A_483, %squeeze3A_485 : f32
    %add3A_487 = arith.addf %add3A_481, %mul3A_486 : f32
    %slice3A_488 = vector.extract_strided_slice %get3A_150 {offsets = [15], sizes = [1], strides = [1]} : vector<16xf32> to vector<1xf32>
    %squeeze3A_489 = vector.extract %slice3A_488[0] : f32 from vector<1xf32>
    %slice3A_490 = vector.extract_strided_slice %get3A_147 {offsets = [14], sizes = [1], strides = [1]} : vector<16xf32> to vector<1xf32>
    %squeeze3A_491 = vector.extract %slice3A_490[0] : f32 from vector<1xf32>
    %mul3A_492 = arith.mulf %squeeze3A_489, %squeeze3A_491 : f32
    %add3A_493 = arith.addf %add3A_487, %mul3A_492 : f32
    %slice3A_494 = vector.extract_strided_slice %get3A_150 {offsets = [12], sizes = [1], strides = [1]} : vector<16xf32> to vector<1xf32>
    %squeeze3A_495 = vector.extract %slice3A_494[0] : f32 from vector<1xf32>
    %slice3A_496 = vector.extract_strided_slice %get3A_147 {offsets = [3], sizes = [1], strides = [1]} : vector<16xf32> to vector<1xf32>
    %squeeze3A_497 = vector.extract %slice3A_496[0] : f32 from vector<1xf32>
    %mul3A_498 = arith.mulf %squeeze3A_495, %squeeze3A_497 : f32
    %slice3A_499 = vector.extract_strided_slice %get3A_150 {offsets = [13], sizes = [1], strides = [1]} : vector<16xf32> to vector<1xf32>
    %squeeze3A_500 = vector.extract %slice3A_499[0] : f32 from vector<1xf32>
    %slice3A_501 = vector.extract_strided_slice %get3A_147 {offsets = [7], sizes = [1], strides = [1]} : vector<16xf32> to vector<1xf32>
    %squeeze3A_502 = vector.extract %slice3A_501[0] : f32 from vector<1xf32>
    %mul3A_503 = arith.mulf %squeeze3A_500, %squeeze3A_502 : f32
    %add3A_504 = arith.addf %mul3A_498, %mul3A_503 : f32
    %slice3A_505 = vector.extract_strided_slice %get3A_150 {offsets = [14], sizes = [1], strides = [1]} : vector<16xf32> to vector<1xf32>
    %squeeze3A_506 = vector.extract %slice3A_505[0] : f32 from vector<1xf32>
    %slice3A_507 = vector.extract_strided_slice %get3A_147 {offsets = [11], sizes = [1], strides = [1]} : vector<16xf32> to vector<1xf32>
    %squeeze3A_508 = vector.extract %slice3A_507[0] : f32 from vector<1xf32>
    %mul3A_509 = arith.mulf %squeeze3A_506, %squeeze3A_508 : f32
    %add3A_510 = arith.addf %add3A_504, %mul3A_509 : f32
    %slice3A_511 = vector.extract_strided_slice %get3A_150 {offsets = [15], sizes = [1], strides = [1]} : vector<16xf32> to vector<1xf32>
    %squeeze3A_512 = vector.extract %slice3A_511[0] : f32 from vector<1xf32>
    %slice3A_513 = vector.extract_strided_slice %get3A_147 {offsets = [15], sizes = [1], strides = [1]} : vector<16xf32> to vector<1xf32>
    %squeeze3A_514 = vector.extract %slice3A_513[0] : f32 from vector<1xf32>
    %mul3A_515 = arith.mulf %squeeze3A_512, %squeeze3A_514 : f32
    %add3A_516 = arith.addf %add3A_510, %mul3A_515 : f32
    %get3A_517 = arith.constant 0 : i32
    %get3A_518 = arith.index_cast %get3A_517 : i32 to index
    %get3A_519 = arith.constant 0 : index
    %get3A_520 = tpu.vector_load %arg5[%get3A_518, %get3A_519] {strides = array<i32>} : memref<5x32xf32, #tpu.memory_space<vmem>>, vector<1x16xf32>,
    %get3A_521 = vector.shape_cast %get3A_520 : vector<1x16xf32> to vector<16xf32>
    %get3A_522 = arith.constant 1 : i32
    %get3A_523 = arith.index_cast %get3A_522 : i32 to index
    %get3A_524 = arith.constant 0 : index
    %get3A_525 = tpu.vector_load %arg5[%get3A_523, %get3A_524] {strides = array<i32>} : memref<5x32xf32, #tpu.memory_space<vmem>>, vector<1x16xf32>,
    %get3A_526 = vector.shape_cast %get3A_525 : vector<1x16xf32> to vector<16xf32>
    %get3A_527 = arith.constant 2 : i32
    %get3A_528 = arith.index_cast %get3A_527 : i32 to index
    %get3A_529 = arith.constant 0 : index
    %get3A_530 = tpu.vector_load %arg5[%get3A_528, %get3A_529] {strides = array<i32>} : memref<5x32xf32, #tpu.memory_space<vmem>>, vector<1x16xf32>,
    %get3A_531 = vector.shape_cast %get3A_530 : vector<1x16xf32> to vector<16xf32>
    %get3A_532 = arith.constant 3 : i32
    %get3A_533 = arith.index_cast %get3A_532 : i32 to index
    %get3A_534 = arith.constant 0 : index
    %get3A_535 = tpu.vector_load %arg5[%get3A_533, %get3A_534] {strides = array<i32>} : memref<5x32xf32, #tpu.memory_space<vmem>>, vector<1x16xf32>,
    %get3A_536 = vector.shape_cast %get3A_535 : vector<1x16xf32> to vector<16xf32>
    %get3A_537 = arith.constant 4 : i32
    %get3A_538 = arith.index_cast %get3A_537 : i32 to index
    %get3A_539 = arith.constant 0 : index
    %get3A_540 = tpu.vector_load %arg5[%get3A_538, %get3A_539] {strides = array<i32>} : memref<5x32xf32, #tpu.memory_space<vmem>>, vector<1x16xf32>,
    %get3A_541 = vector.shape_cast %get3A_540 : vector<1x16xf32> to vector<16xf32>
    %mul3A_542 = vector.broadcast %add3A_171 : f32 to vector<16xf32>
    %mul3A_543 = arith.mulf %get3A_526, %mul3A_542 : vector<16xf32>
    %mul3A_544 = vector.broadcast %add3A_194 : f32 to vector<16xf32>
    %mul3A_545 = arith.mulf %get3A_531, %mul3A_544 : vector<16xf32>
    %add3A_546 = arith.addf %mul3A_543, %mul3A_545 : vector<16xf32>
    %mul3A_547 = vector.broadcast %add3A_217 : f32 to vector<16xf32>
    %mul3A_548 = arith.mulf %get3A_536, %mul3A_547 : vector<16xf32>
    %add3A_549 = arith.addf %add3A_546, %mul3A_548 : vector<16xf32>
    %mul3A_550 = vector.broadcast %add3A_240 : f32 to vector<16xf32>
    %mul3A_551 = arith.mulf %get3A_541, %mul3A_550 : vector<16xf32>
    %add3A_552 = arith.addf %add3A_549, %mul3A_551 : vector<16xf32>
    %mul3A_553 = arith.mulf %get3A_521, %add3A_552 : vector<16xf32>
    %swap3A = arith.constant 0 : i32
    %swap3A_554 = arith.index_cast %swap3A : i32 to index
    %swap3A_555 = arith.constant 0 : index
    %swap3A_556 = tpu.vector_load %arg7[%swap3A_554, %swap3A_555] {strides = array<i32>} : memref<4x32xf32, #tpu.memory_space<vmem>>, vector<1x16xf32>,
    %swap3A_557 = vector.shape_cast %swap3A_556 : vector<1x16xf32> to vector<16xf32>
    %swap3A_558 = vector.shape_cast %mul3A_553 : vector<16xf32> to vector<1x16xf32>
    tpu.vector_store %arg7[%swap3A_554, %swap3A_555], %swap3A_558 {strides = array<i32>} : memref<4x32xf32, #tpu.memory_space<vmem>>, vector<1x16xf32>,
    %mul3A_559 = vector.broadcast %add3A_263 : f32 to vector<16xf32>
    %mul3A_560 = arith.mulf %get3A_526, %mul3A_559 : vector<16xf32>
    %mul3A_561 = vector.broadcast %add3A_286 : f32 to vector<16xf32>
    %mul3A_562 = arith.mulf %get3A_531, %mul3A_561 : vector<16xf32>
    %add3A_563 = arith.addf %mul3A_560, %mul3A_562 : vector<16xf32>
    %mul3A_564 = vector.broadcast %add3A_309 : f32 to vector<16xf32>
    %mul3A_565 = arith.mulf %get3A_536, %mul3A_564 : vector<16xf32>
    %add3A_566 = arith.addf %add3A_563, %mul3A_565 : vector<16xf32>
    %mul3A_567 = vector.broadcast %add3A_332 : f32 to vector<16xf32>
    %mul3A_568 = arith.mulf %get3A_541, %mul3A_567 : vector<16xf32>
    %add3A_569 = arith.addf %add3A_566, %mul3A_568 : vector<16xf32>
    %mul3A_570 = arith.mulf %get3A_521, %add3A_569 : vector<16xf32>
    %swap3A_571 = arith.constant 1 : i32
    %swap3A_572 = arith.index_cast %swap3A_571 : i32 to index
    %swap3A_573 = arith.constant 0 : index
    %swap3A_574 = tpu.vector_load %arg7[%swap3A_572, %swap3A_573] {strides = array<i32>} : memref<4x32xf32, #tpu.memory_space<vmem>>, vector<1x16xf32>,
    %swap3A_575 = vector.shape_cast %swap3A_574 : vector<1x16xf32> to vector<16xf32>
    %swap3A_576 = vector.shape_cast %mul3A_570 : vector<16xf32> to vector<1x16xf32>
    tpu.vector_store %arg7[%swap3A_572, %swap3A_573], %swap3A_576 {strides = array<i32>} : memref<4x32xf32, #tpu.memory_space<vmem>>, vector<1x16xf32>,
    %mul3A_577 = vector.broadcast %add3A_355 : f32 to vector<16xf32>
    %mul3A_578 = arith.mulf %get3A_526, %mul3A_577 : vector<16xf32>
    %mul3A_579 = vector.broadcast %add3A_378 : f32 to vector<16xf32>
    %mul3A_580 = arith.mulf %get3A_531, %mul3A_579 : vector<16xf32>
    %add3A_581 = arith.addf %mul3A_578, %mul3A_580 : vector<16xf32>
    %mul3A_582 = vector.broadcast %add3A_401 : f32 to vector<16xf32>
    %mul3A_583 = arith.mulf %get3A_536, %mul3A_582 : vector<16xf32>
    %add3A_584 = arith.addf %add3A_581, %mul3A_583 : vector<16xf32>
    %mul3A_585 = vector.broadcast %add3A_424 : f32 to vector<16xf32>
    %mul3A_586 = arith.mulf %get3A_541, %mul3A_585 : vector<16xf32>
    %add3A_587 = arith.addf %add3A_584, %mul3A_586 : vector<16xf32>
    %mul3A_588 = arith.mulf %get3A_521, %add3A_587 : vector<16xf32>
    %swap3A_589 = arith.constant 2 : i32
    %swap3A_590 = arith.index_cast %swap3A_589 : i32 to index
    %swap3A_591 = arith.constant 0 : index
    %swap3A_592 = tpu.vector_load %arg7[%swap3A_590, %swap3A_591] {strides = array<i32>} : memref<4x32xf32, #tpu.memory_space<vmem>>, vector<1x16xf32>,
    %swap3A_593 = vector.shape_cast %swap3A_592 : vector<1x16xf32> to vector<16xf32>
    %swap3A_594 = vector.shape_cast %mul3A_588 : vector<16xf32> to vector<1x16xf32>
    tpu.vector_store %arg7[%swap3A_590, %swap3A_591], %swap3A_594 {strides = array<i32>} : memref<4x32xf32, #tpu.memory_space<vmem>>, vector<1x16xf32>,
    %mul3A_595 = vector.broadcast %add3A_447 : f32 to vector<16xf32>
    %mul3A_596 = arith.mulf %get3A_526, %mul3A_595 : vector<16xf32>
    %mul3A_597 = vector.broadcast %add3A_470 : f32 to vector<16xf32>
    %mul3A_598 = arith.mulf %get3A_531, %mul3A_597 : vector<16xf32>
    %add3A_599 = arith.addf %mul3A_596, %mul3A_598 : vector<16xf32>
    %mul3A_600 = vector.broadcast %add3A_493 : f32 to vector<16xf32>
    %mul3A_601 = arith.mulf %get3A_536, %mul3A_600 : vector<16xf32>
    %add3A_602 = arith.addf %add3A_599, %mul3A_601 : vector<16xf32>
    %mul3A_603 = vector.broadcast %add3A_516 : f32 to vector<16xf32>
    %mul3A_604 = arith.mulf %get3A_541, %mul3A_603 : vector<16xf32>
    %add3A_605 = arith.addf %add3A_602, %mul3A_604 : vector<16xf32>
    %mul3A_606 = arith.mulf %get3A_521, %add3A_605 : vector<16xf32>
    %swap3A_607 = arith.constant 3 : i32
    %swap3A_608 = arith.index_cast %swap3A_607 : i32 to index
    %swap3A_609 = arith.constant 0 : index
    %swap3A_610 = tpu.vector_load %arg7[%swap3A_608, %swap3A_609] {strides = array<i32>} : memref<4x32xf32, #tpu.memory_space<vmem>>, vector<1x16xf32>,
    %swap3A_611 = vector.shape_cast %swap3A_610 : vector<1x16xf32> to vector<16xf32>
    %swap3A_612 = vector.shape_cast %mul3A_606 : vector<16xf32> to vector<1x16xf32>
    tpu.vector_store %arg7[%swap3A_608, %swap3A_609], %swap3A_612 {strides = array<i32>} : memref<4x32xf32, #tpu.memory_space<vmem>>, vector<1x16xf32>,
    %get3A_613 = arith.constant 0 : i32
    %get3A_614 = arith.index_cast %get3A_613 : i32 to index
    %get3A_615 = arith.constant 16 : index
    %get3A_616 = tpu.vector_load %arg5[%get3A_614, %get3A_615] {strides = array<i32>} : memref<5x32xf32, #tpu.memory_space<vmem>>, vector<1x16xf32>,
    %get3A_617 = vector.shape_cast %get3A_616 : vector<1x16xf32> to vector<16xf32>
    %get3A_618 = arith.constant 1 : i32
    %get3A_619 = arith.index_cast %get3A_618 : i32 to index
    %get3A_620 = arith.constant 16 : index
    %get3A_621 = tpu.vector_load %arg5[%get3A_619, %get3A_620] {strides = array<i32>} : memref<5x32xf32, #tpu.memory_space<vmem>>, vector<1x16xf32>,
    %get3A_622 = vector.shape_cast %get3A_621 : vector<1x16xf32> to vector<16xf32>
    %get3A_623 = arith.constant 2 : i32
    %get3A_624 = arith.index_cast %get3A_623 : i32 to index
    %get3A_625 = arith.constant 16 : index
    %get3A_626 = tpu.vector_load %arg5[%get3A_624, %get3A_625] {strides = array<i32>} : memref<5x32xf32, #tpu.memory_space<vmem>>, vector<1x16xf32>,
    %get3A_627 = vector.shape_cast %get3A_626 : vector<1x16xf32> to vector<16xf32>
    %get3A_628 = arith.constant 3 : i32
    %get3A_629 = arith.index_cast %get3A_628 : i32 to index
    %get3A_630 = arith.constant 16 : index
    %get3A_631 = tpu.vector_load %arg5[%get3A_629, %get3A_630] {strides = array<i32>} : memref<5x32xf32, #tpu.memory_space<vmem>>, vector<1x16xf32>,
    %get3A_632 = vector.shape_cast %get3A_631 : vector<1x16xf32> to vector<16xf32>
    %get3A_633 = arith.constant 4 : i32
    %get3A_634 = arith.index_cast %get3A_633 : i32 to index
    %get3A_635 = arith.constant 16 : index
    %get3A_636 = tpu.vector_load %arg5[%get3A_634, %get3A_635] {strides = array<i32>} : memref<5x32xf32, #tpu.memory_space<vmem>>, vector<1x16xf32>,
    %get3A_637 = vector.shape_cast %get3A_636 : vector<1x16xf32> to vector<16xf32>
    %mul3A_638 = vector.broadcast %add3A_171 : f32 to vector<16xf32>
    %mul3A_639 = arith.mulf %get3A_622, %mul3A_638 : vector<16xf32>
    %mul3A_640 = vector.broadcast %add3A_194 : f32 to vector<16xf32>
    %mul3A_641 = arith.mulf %get3A_627, %mul3A_640 : vector<16xf32>
    %add3A_642 = arith.addf %mul3A_639, %mul3A_641 : vector<16xf32>
    %mul3A_643 = vector.broadcast %add3A_217 : f32 to vector<16xf32>
    %mul3A_644 = arith.mulf %get3A_632, %mul3A_643 : vector<16xf32>
    %add3A_645 = arith.addf %add3A_642, %mul3A_644 : vector<16xf32>
    %mul3A_646 = vector.broadcast %add3A_240 : f32 to vector<16xf32>
    %mul3A_647 = arith.mulf %get3A_637, %mul3A_646 : vector<16xf32>
    %add3A_648 = arith.addf %add3A_645, %mul3A_647 : vector<16xf32>
    %mul3A_649 = arith.mulf %get3A_617, %add3A_648 : vector<16xf32>
    %swap3A_650 = arith.constant 0 : i32
    %swap3A_651 = arith.index_cast %swap3A_650 : i32 to index
    %swap3A_652 = arith.constant 16 : index
    %swap3A_653 = tpu.vector_load %arg7[%swap3A_651, %swap3A_652] {strides = array<i32>} : memref<4x32xf32, #tpu.memory_space<vmem>>, vector<1x16xf32>,
    %swap3A_654 = vector.shape_cast %swap3A_653 : vector<1x16xf32> to vector<16xf32>
    %swap3A_655 = vector.shape_cast %mul3A_649 : vector<16xf32> to vector<1x16xf32>
    tpu.vector_store %arg7[%swap3A_651, %swap3A_652], %swap3A_655 {strides = array<i32>} : memref<4x32xf32, #tpu.memory_space<vmem>>, vector<1x16xf32>,
    %mul3A_656 = vector.broadcast %add3A_263 : f32 to vector<16xf32>
    %mul3A_657 = arith.mulf %get3A_622, %mul3A_656 : vector<16xf32>
    %mul3A_658 = vector.broadcast %add3A_286 : f32 to vector<16xf32>
    %mul3A_659 = arith.mulf %get3A_627, %mul3A_658 : vector<16xf32>
    %add3A_660 = arith.addf %mul3A_657, %mul3A_659 : vector<16xf32>
    %mul3A_661 = vector.broadcast %add3A_309 : f32 to vector<16xf32>
    %mul3A_662 = arith.mulf %get3A_632, %mul3A_661 : vector<16xf32>
    %add3A_663 = arith.addf %add3A_660, %mul3A_662 : vector<16xf32>
    %mul3A_664 = vector.broadcast %add3A_332 : f32 to vector<16xf32>
    %mul3A_665 = arith.mulf %get3A_637, %mul3A_664 : vector<16xf32>
    %add3A_666 = arith.addf %add3A_663, %mul3A_665 : vector<16xf32>
    %mul3A_667 = arith.mulf %get3A_617, %add3A_666 : vector<16xf32>
    %swap3A_668 = arith.constant 1 : i32
    %swap3A_669 = arith.index_cast %swap3A_668 : i32 to index
    %swap3A_670 = arith.constant 16 : index
    %swap3A_671 = tpu.vector_load %arg7[%swap3A_669, %swap3A_670] {strides = array<i32>} : memref<4x32xf32, #tpu.memory_space<vmem>>, vector<1x16xf32>,
    %swap3A_672 = vector.shape_cast %swap3A_671 : vector<1x16xf32> to vector<16xf32>
    %swap3A_673 = vector.shape_cast %mul3A_667 : vector<16xf32> to vector<1x16xf32>
    tpu.vector_store %arg7[%swap3A_669, %swap3A_670], %swap3A_673 {strides = array<i32>} : memref<4x32xf32, #tpu.memory_space<vmem>>, vector<1x16xf32>,
    %mul3A_674 = vector.broadcast %add3A_355 : f32 to vector<16xf32>
    %mul3A_675 = arith.mulf %get3A_622, %mul3A_674 : vector<16xf32>
    %mul3A_676 = vector.broadcast %add3A_378 : f32 to vector<16xf32>
    %mul3A_677 = arith.mulf %get3A_627, %mul3A_676 : vector<16xf32>
    %add3A_678 = arith.addf %mul3A_675, %mul3A_677 : vector<16xf32>
    %mul3A_679 = vector.broadcast %add3A_401 : f32 to vector<16xf32>
    %mul3A_680 = arith.mulf %get3A_632, %mul3A_679 : vector<16xf32>
    %add3A_681 = arith.addf %add3A_678, %mul3A_680 : vector<16xf32>
    %mul3A_682 = vector.broadcast %add3A_424 : f32 to vector<16xf32>
    %mul3A_683 = arith.mulf %get3A_637, %mul3A_682 : vector<16xf32>
    %add3A_684 = arith.addf %add3A_681, %mul3A_683 : vector<16xf32>
    %mul3A_685 = arith.mulf %get3A_617, %add3A_684 : vector<16xf32>
    %swap3A_686 = arith.constant 2 : i32
    %swap3A_687 = arith.index_cast %swap3A_686 : i32 to index
    %swap3A_688 = arith.constant 16 : index
    %swap3A_689 = tpu.vector_load %arg7[%swap3A_687, %swap3A_688] {strides = array<i32>} : memref<4x32xf32, #tpu.memory_space<vmem>>, vector<1x16xf32>,
    %swap3A_690 = vector.shape_cast %swap3A_689 : vector<1x16xf32> to vector<16xf32>
    %swap3A_691 = vector.shape_cast %mul3A_685 : vector<16xf32> to vector<1x16xf32>
    tpu.vector_store %arg7[%swap3A_687, %swap3A_688], %swap3A_691 {strides = array<i32>} : memref<4x32xf32, #tpu.memory_space<vmem>>, vector<1x16xf32>,
    %mul3A_692 = vector.broadcast %add3A_447 : f32 to vector<16xf32>
    %mul3A_693 = arith.mulf %get3A_622, %mul3A_692 : vector<16xf32>
    %mul3A_694 = vector.broadcast %add3A_470 : f32 to vector<16xf32>
    %mul3A_695 = arith.mulf %get3A_627, %mul3A_694 : vector<16xf32>
    %add3A_696 = arith.addf %mul3A_693, %mul3A_695 : vector<16xf32>
    %mul3A_697 = vector.broadcast %add3A_493 : f32 to vector<16xf32>
    %mul3A_698 = arith.mulf %get3A_632, %mul3A_697 : vector<16xf32>
    %add3A_699 = arith.addf %add3A_696, %mul3A_698 : vector<16xf32>
    %mul3A_700 = vector.broadcast %add3A_516 : f32 to vector<16xf32>
    %mul3A_701 = arith.mulf %get3A_637, %mul3A_700 : vector<16xf32>
    %add3A_702 = arith.addf %add3A_699, %mul3A_701 : vector<16xf32>
    %mul3A_703 = arith.mulf %get3A_617, %add3A_702 : vector<16xf32>
    %swap3A_704 = arith.constant 3 : i32
    %swap3A_705 = arith.index_cast %swap3A_704 : i32 to index
    %swap3A_706 = arith.constant 16 : index
    %swap3A_707 = tpu.vector_load %arg7[%swap3A_705, %swap3A_706] {strides = array<i32>} : memref<4x32xf32, #tpu.memory_space<vmem>>, vector<1x16xf32>,
    %swap3A_708 = vector.shape_cast %swap3A_707 : vector<1x16xf32> to vector<16xf32>
    %swap3A_709 = vector.shape_cast %mul3A_703 : vector<16xf32> to vector<1x16xf32>
    tpu.vector_store %arg7[%swap3A_705, %swap3A_706], %swap3A_709 {strides = array<i32>} : memref<4x32xf32, #tpu.memory_space<vmem>>, vector<1x16xf32>,
    %mul3A_710 = arith.constant 4 : i32
    %mul3A_711 = arith.muli %select_n3A, %mul3A_710 : i32
    %add3A_712 = arith.constant 0 : i32
    %add3A_713 = arith.addi %mul3A_711, %add3A_712 : i32
    %mul3A_714 = arith.constant 128 : i32
    %mul3A_715 = arith.muli %add3A_713, %mul3A_714 : i32
    %add3A_716 = arith.addi %mul3A_715, %mul3A_32 : i32
    %dma_start3A_717 = arith.constant 0 : i32
    %dma_start3A_718 = arith.constant 0 : i32
    %dma_start3A_719 = tpu.memref_slice %arg7[%dma_start3A_717, %dma_start3A_718] : memref<4x32xf32, #tpu.memory_space<vmem>> -> memref<1x32xf32, #tpu.memory_space<vmem>>
    %dma_start3A_720 = tpu.memref_squeeze %dma_start3A_719 : memref<1x32xf32, #tpu.memory_space<vmem>> -> memref<32xf32, #tpu.memory_space<vmem>>
    %dma_start3A_721 = tpu.memref_slice %arg4[%add3A_716] : memref<4096xf32, #tpu.memory_space<hbm>> -> memref<32xf32, #tpu.memory_space<hbm>>
    %dma_start3A_722 = tpu.memref_slice %arg4[%add3A_716] : memref<4096xf32, #tpu.memory_space<hbm>> -> memref<32xf32, #tpu.memory_space<hbm>>
    %dma_start3A_723 = arith.constant 0 : i32
    %dma_start3A_724 = tpu.memref_slice %arg7[%dma_start3A_717, %dma_start3A_723] : memref<4x32xf32, #tpu.memory_space<vmem>> -> memref<1x32xf32, #tpu.memory_space<vmem>>
    %dma_start3A_725 = tpu.memref_squeeze %dma_start3A_724 : memref<1x32xf32, #tpu.memory_space<vmem>> -> memref<32xf32, #tpu.memory_space<vmem>>
    tpu.enqueue_dma source(%dma_start3A_725 : memref<32xf32, #tpu.memory_space<vmem>>) target(%dma_start3A_722 : memref<32xf32, #tpu.memory_space<hbm>>) target_semaphore(%arg8 : memref<!tpu.dma_semaphore, #tpu.memory_space<semaphore_mem>>)
    %mul3A_726 = arith.constant 4 : i32
    %mul3A_727 = arith.muli %select_n3A, %mul3A_726 : i32
    %add3A_728 = arith.constant 1 : i32
    %add3A_729 = arith.addi %mul3A_727, %add3A_728 : i32
    %mul3A_730 = arith.constant 128 : i32
    %mul3A_731 = arith.muli %add3A_729, %mul3A_730 : i32
    %add3A_732 = arith.addi %mul3A_731, %mul3A_32 : i32
    %dma_start3A_733 = arith.constant 1 : i32
    %dma_start3A_734 = arith.constant 0 : i32
    %dma_start3A_735 = tpu.memref_slice %arg7[%dma_start3A_733, %dma_start3A_734] : memref<4x32xf32, #tpu.memory_space<vmem>> -> memref<1x32xf32, #tpu.memory_space<vmem>>
    %dma_start3A_736 = tpu.memref_squeeze %dma_start3A_735 : memref<1x32xf32, #tpu.memory_space<vmem>> -> memref<32xf32, #tpu.memory_space<vmem>>
    %dma_start3A_737 = tpu.memref_slice %arg4[%add3A_732] : memref<4096xf32, #tpu.memory_space<hbm>> -> memref<32xf32, #tpu.memory_space<hbm>>
    %dma_start3A_738 = tpu.memref_slice %arg4[%add3A_732] : memref<4096xf32, #tpu.memory_space<hbm>> -> memref<32xf32, #tpu.memory_space<hbm>>
    %dma_start3A_739 = arith.constant 0 : i32
    %dma_start3A_740 = tpu.memref_slice %arg7[%dma_start3A_733, %dma_start3A_739] : memref<4x32xf32, #tpu.memory_space<vmem>> -> memref<1x32xf32, #tpu.memory_space<vmem>>
    %dma_start3A_741 = tpu.memref_squeeze %dma_start3A_740 : memref<1x32xf32, #tpu.memory_space<vmem>> -> memref<32xf32, #tpu.memory_space<vmem>>
    tpu.enqueue_dma source(%dma_start3A_741 : memref<32xf32, #tpu.memory_space<vmem>>) target(%dma_start3A_738 : memref<32xf32, #tpu.memory_space<hbm>>) target_semaphore(%arg8 : memref<!tpu.dma_semaphore, #tpu.memory_space<semaphore_mem>>)
    %mul3A_742 = arith.constant 4 : i32
    %mul3A_743 = arith.muli %select_n3A, %mul3A_742 : i32
    %add3A_744 = arith.constant 2 : i32
    %add3A_745 = arith.addi %mul3A_743, %add3A_744 : i32
    %mul3A_746 = arith.constant 128 : i32
    %mul3A_747 = arith.muli %add3A_745, %mul3A_746 : i32
    %add3A_748 = arith.addi %mul3A_747, %mul3A_32 : i32
    %dma_start3A_749 = arith.constant 2 : i32
    %dma_start3A_750 = arith.constant 0 : i32
    %dma_start3A_751 = tpu.memref_slice %arg7[%dma_start3A_749, %dma_start3A_750] : memref<4x32xf32, #tpu.memory_space<vmem>> -> memref<1x32xf32, #tpu.memory_space<vmem>>
    %dma_start3A_752 = tpu.memref_squeeze %dma_start3A_751 : memref<1x32xf32, #tpu.memory_space<vmem>> -> memref<32xf32, #tpu.memory_space<vmem>>
    %dma_start3A_753 = tpu.memref_slice %arg4[%add3A_748] : memref<4096xf32, #tpu.memory_space<hbm>> -> memref<32xf32, #tpu.memory_space<hbm>>
    %dma_start3A_754 = tpu.memref_slice %arg4[%add3A_748] : memref<4096xf32, #tpu.memory_space<hbm>> -> memref<32xf32, #tpu.memory_space<hbm>>
    %dma_start3A_755 = arith.constant 0 : i32
    %dma_start3A_756 = tpu.memref_slice %arg7[%dma_start3A_749, %dma_start3A_755] : memref<4x32xf32, #tpu.memory_space<vmem>> -> memref<1x32xf32, #tpu.memory_space<vmem>>
    %dma_start3A_757 = tpu.memref_squeeze %dma_start3A_756 : memref<1x32xf32, #tpu.memory_space<vmem>> -> memref<32xf32, #tpu.memory_space<vmem>>
    tpu.enqueue_dma source(%dma_start3A_757 : memref<32xf32, #tpu.memory_space<vmem>>) target(%dma_start3A_754 : memref<32xf32, #tpu.memory_space<hbm>>) target_semaphore(%arg8 : memref<!tpu.dma_semaphore, #tpu.memory_space<semaphore_mem>>)
    %mul3A_758 = arith.constant 4 : i32
    %mul3A_759 = arith.muli %select_n3A, %mul3A_758 : i32
    %add3A_760 = arith.constant 3 : i32
    %add3A_761 = arith.addi %mul3A_759, %add3A_760 : i32
    %mul3A_762 = arith.constant 128 : i32
    %mul3A_763 = arith.muli %add3A_761, %mul3A_762 : i32
    %add3A_764 = arith.addi %mul3A_763, %mul3A_32 : i32
    %dma_start3A_765 = arith.constant 3 : i32
    %dma_start3A_766 = arith.constant 0 : i32
    %dma_start3A_767 = tpu.memref_slice %arg7[%dma_start3A_765, %dma_start3A_766] : memref<4x32xf32, #tpu.memory_space<vmem>> -> memref<1x32xf32, #tpu.memory_space<vmem>>
    %dma_start3A_768 = tpu.memref_squeeze %dma_start3A_767 : memref<1x32xf32, #tpu.memory_space<vmem>> -> memref<32xf32, #tpu.memory_space<vmem>>
    %dma_start3A_769 = tpu.memref_slice %arg4[%add3A_764] : memref<4096xf32, #tpu.memory_space<hbm>> -> memref<32xf32, #tpu.memory_space<hbm>>
    %dma_start3A_770 = tpu.memref_slice %arg4[%add3A_764] : memref<4096xf32, #tpu.memory_space<hbm>> -> memref<32xf32, #tpu.memory_space<hbm>>
    %dma_start3A_771 = arith.constant 0 : i32
    %dma_start3A_772 = tpu.memref_slice %arg7[%dma_start3A_765, %dma_start3A_771] : memref<4x32xf32, #tpu.memory_space<vmem>> -> memref<1x32xf32, #tpu.memory_space<vmem>>
    %dma_start3A_773 = tpu.memref_squeeze %dma_start3A_772 : memref<1x32xf32, #tpu.memory_space<vmem>> -> memref<32xf32, #tpu.memory_space<vmem>>
    tpu.enqueue_dma source(%dma_start3A_773 : memref<32xf32, #tpu.memory_space<vmem>>) target(%dma_start3A_770 : memref<32xf32, #tpu.memory_space<hbm>>) target_semaphore(%arg8 : memref<!tpu.dma_semaphore, #tpu.memory_space<semaphore_mem>>)
    %dma_wait3A_774 = arith.constant 0 : i32
    %dma_wait3A_775 = arith.constant 0 : i32
    %dma_wait3A_776 = tpu.memref_slice %arg7[%dma_wait3A_774, %dma_wait3A_775] : memref<4x32xf32, #tpu.memory_space<vmem>> -> memref<1x32xf32, #tpu.memory_space<vmem>>
    %dma_wait3A_777 = tpu.memref_squeeze %dma_wait3A_776 : memref<1x32xf32, #tpu.memory_space<vmem>> -> memref<32xf32, #tpu.memory_space<vmem>>
    %dma_wait3A_778 = tpu.memref_slice %arg4[%add3A_716] : memref<4096xf32, #tpu.memory_space<hbm>> -> memref<32xf32, #tpu.memory_space<hbm>>
    %dma_wait3A_779 = tpu.memref_slice %arg4[%add3A_716] : memref<4096xf32, #tpu.memory_space<hbm>> -> memref<32xf32, #tpu.memory_space<hbm>>
    %dma_wait3A_780 = arith.constant 0 : i32
    %dma_wait3A_781 = tpu.memref_slice %arg7[%dma_wait3A_774, %dma_wait3A_780] : memref<4x32xf32, #tpu.memory_space<vmem>> -> memref<1x32xf32, #tpu.memory_space<vmem>>
    %dma_wait3A_782 = tpu.memref_squeeze %dma_wait3A_781 : memref<1x32xf32, #tpu.memory_space<vmem>> -> memref<32xf32, #tpu.memory_space<vmem>>
    tpu.wait_dma2 semaphore(%arg8 : memref<!tpu.dma_semaphore, #tpu.memory_space<semaphore_mem>>) src(%dma_wait3A_782 : memref<32xf32, #tpu.memory_space<vmem>>) dst(%dma_wait3A_779 : memref<32xf32, #tpu.memory_space<hbm>>)
    %dma_wait3A_783 = arith.constant 1 : i32
    %dma_wait3A_784 = arith.constant 0 : i32
    %dma_wait3A_785 = tpu.memref_slice %arg7[%dma_wait3A_783, %dma_wait3A_784] : memref<4x32xf32, #tpu.memory_space<vmem>> -> memref<1x32xf32, #tpu.memory_space<vmem>>
    %dma_wait3A_786 = tpu.memref_squeeze %dma_wait3A_785 : memref<1x32xf32, #tpu.memory_space<vmem>> -> memref<32xf32, #tpu.memory_space<vmem>>
    %dma_wait3A_787 = tpu.memref_slice %arg4[%add3A_732] : memref<4096xf32, #tpu.memory_space<hbm>> -> memref<32xf32, #tpu.memory_space<hbm>>
    %dma_wait3A_788 = tpu.memref_slice %arg4[%add3A_732] : memref<4096xf32, #tpu.memory_space<hbm>> -> memref<32xf32, #tpu.memory_space<hbm>>
    %dma_wait3A_789 = arith.constant 0 : i32
    %dma_wait3A_790 = tpu.memref_slice %arg7[%dma_wait3A_783, %dma_wait3A_789] : memref<4x32xf32, #tpu.memory_space<vmem>> -> memref<1x32xf32, #tpu.memory_space<vmem>>
    %dma_wait3A_791 = tpu.memref_squeeze %dma_wait3A_790 : memref<1x32xf32, #tpu.memory_space<vmem>> -> memref<32xf32, #tpu.memory_space<vmem>>
    tpu.wait_dma2 semaphore(%arg8 : memref<!tpu.dma_semaphore, #tpu.memory_space<semaphore_mem>>) src(%dma_wait3A_791 : memref<32xf32, #tpu.memory_space<vmem>>) dst(%dma_wait3A_788 : memref<32xf32, #tpu.memory_space<hbm>>)
    %dma_wait3A_792 = arith.constant 2 : i32
    %dma_wait3A_793 = arith.constant 0 : i32
    %dma_wait3A_794 = tpu.memref_slice %arg7[%dma_wait3A_792, %dma_wait3A_793] : memref<4x32xf32, #tpu.memory_space<vmem>> -> memref<1x32xf32, #tpu.memory_space<vmem>>
    %dma_wait3A_795 = tpu.memref_squeeze %dma_wait3A_794 : memref<1x32xf32, #tpu.memory_space<vmem>> -> memref<32xf32, #tpu.memory_space<vmem>>
    %dma_wait3A_796 = tpu.memref_slice %arg4[%add3A_748] : memref<4096xf32, #tpu.memory_space<hbm>> -> memref<32xf32, #tpu.memory_space<hbm>>
    %dma_wait3A_797 = tpu.memref_slice %arg4[%add3A_748] : memref<4096xf32, #tpu.memory_space<hbm>> -> memref<32xf32, #tpu.memory_space<hbm>>
    %dma_wait3A_798 = arith.constant 0 : i32
    %dma_wait3A_799 = tpu.memref_slice %arg7[%dma_wait3A_792, %dma_wait3A_798] : memref<4x32xf32, #tpu.memory_space<vmem>> -> memref<1x32xf32, #tpu.memory_space<vmem>>
    %dma_wait3A_800 = tpu.memref_squeeze %dma_wait3A_799 : memref<1x32xf32, #tpu.memory_space<vmem>> -> memref<32xf32, #tpu.memory_space<vmem>>
    tpu.wait_dma2 semaphore(%arg8 : memref<!tpu.dma_semaphore, #tpu.memory_space<semaphore_mem>>) src(%dma_wait3A_800 : memref<32xf32, #tpu.memory_space<vmem>>) dst(%dma_wait3A_797 : memref<32xf32, #tpu.memory_space<hbm>>)
    %dma_wait3A_801 = arith.constant 3 : i32
    %dma_wait3A_802 = arith.constant 0 : i32
    %dma_wait3A_803 = tpu.memref_slice %arg7[%dma_wait3A_801, %dma_wait3A_802] : memref<4x32xf32, #tpu.memory_space<vmem>> -> memref<1x32xf32, #tpu.memory_space<vmem>>
    %dma_wait3A_804 = tpu.memref_squeeze %dma_wait3A_803 : memref<1x32xf32, #tpu.memory_space<vmem>> -> memref<32xf32, #tpu.memory_space<vmem>>
    %dma_wait3A_805 = tpu.memref_slice %arg4[%add3A_764] : memref<4096xf32, #tpu.memory_space<hbm>> -> memref<32xf32, #tpu.memory_space<hbm>>
    %dma_wait3A_806 = tpu.memref_slice %arg4[%add3A_764] : memref<4096xf32, #tpu.memory_space<hbm>> -> memref<32xf32, #tpu.memory_space<hbm>>
    %dma_wait3A_807 = arith.constant 0 : i32
    %dma_wait3A_808 = tpu.memref_slice %arg7[%dma_wait3A_801, %dma_wait3A_807] : memref<4x32xf32, #tpu.memory_space<vmem>> -> memref<1x32xf32, #tpu.memory_space<vmem>>
    %dma_wait3A_809 = tpu.memref_squeeze %dma_wait3A_808 : memref<1x32xf32, #tpu.memory_space<vmem>> -> memref<32xf32, #tpu.memory_space<vmem>>
    tpu.wait_dma2 semaphore(%arg8 : memref<!tpu.dma_semaphore, #tpu.memory_space<semaphore_mem>>) src(%dma_wait3A_809 : memref<32xf32, #tpu.memory_space<vmem>>) dst(%dma_wait3A_806 : memref<32xf32, #tpu.memory_space<hbm>>)
    return
  }
}

</mosaic_0001>

<sc_bundles>
// kernel: kernel.3.cloned.1.call-start
scs
__scs_entry_jumppad:
0x0: {  	(pc) =	sbr.rel $0x88, $3  }
0x1: {  	(tag) =	ssettag $0x0;
	lr =	simm.s32 $0x1  }
0x2: {  	[smem:$0x3F9E] =	sst lr;
	_ =	strace $0xD0000000  }
0x3: {  	_ = 	snop  }
0x4: {  	_ = 	snop  }
0x5: {  	_ = 	snop  }
0x6: {  	_ = 	snop  }
0x7: {  	_ = 	snop  }
__scs_overlays_trampoline_lowered:
0x8: {  	[smem:$0x3FAD] =	sst s0  }
0x9: {  	[smem:$0x3FAE] =	sst s1  }
0xa: {  	[smem:$0x3FAF] =	sst s2  }
0xb: {  	[smem:$0x3FB0] =	sst s3  }
0xc: {  	[smem:$0x3FB1] =	sst s4  }
0xd: {  	[smem:$0x3FB2] =	sst s5  }
0xe: {  	[smem:$0x3FB3] =	sst s6  }
0xf: {  	[smem:$0x3FB4] =	sst s7  }
0x10: {  	[smem:$0x3FB5] =	sst s8  }
0x11: {  	[smem:$0x3FB6] =	sst s9;
	s0 =	simm.s32 @!p0 $0x0  }
0x12: {  	s1 =	sld [smem:$0x3F9C];
	s0 =	simm.s32 @p0 $0x1  }
0x13: {  	[smem:$0x3FB7] =	sst s0;
	s0 =	simm.s32 @!p1 $0x0  }
0x14: {  	s2 =	sld [smem:$0x3F9B];
	s0 =	simm.s32 @p1 $0x1  }
0x15: {  	[smem:$0x3FB8] =	sst s0;
	s0 =	simm.s32 @!p2 $0x0  }
0x16: {  	s3 =	sld [smem:$0x3FDB];
	s0 =	simm.s32 @p2 $0x1  }
0x17: {  	s4 =	simm.s32 $0x1BF5;
	[smem:$0x3FBA] =	sst s0  }
0x18: {  	s0 =	sld [smem:$0x3F9D];
	_ =	swait.ge [sflag:s4], $0x0  }
0x19: {  	s7 =	sld [smem:$0x3F9E]  }
0x1a: {  	s8 =	sadd.s32 $0xFFFFE003, lr  }
0x1b: {  	s9 =	sadd.s32 $0xFFFFFEF7, lr;
	s5 =	simm.s32 $0xFFFFFFFF;
	p2 =	slt.u32 s8, $0xFFFFF086  }
0x1c: {  	p1 =	slt.u32 s9, $0xF7A;
	s5 =	simm.s32 @!p2 $0x0  }
0x1d: {  	s5 =	simm.s32 @p1 $0x1;
	p0 =	seq.s32 s7, s2  }
0x1e: {  	s7 =	smul.u32 @!p0 $0xF7A, s2;
	p2 =	seq.s32 @!p0 s5, $0x0  }
0x1f: {  	s9 =	smul.u32 $0xF7A, s1;
	s8 =	simm.s32 @!p0 $0x1BF5;
	p2 =	por !p2, p0  }
0x20: {  	[sflag:s8] =	ssyncset.s32 @!p0 $0xFFFFF086;
	s6 =	sadd.s32 @!p0 s3, s7;
	s7 =	simm.s32 @!p0 $0x108  }
0x21: {  	s3 =	sadd.s32 s3, s9;
	s6 =	sadd.s32 @!p0 $0x88, s6;
	s7 =	simm.s32 @p2 $0x1082  }
0x22: {  	[simem:s7], [sflag:s8] =	dma.local @!p0 [hbm:s6], $0xF7A  }
0x23: {  	s9 =	sor.u32 $0xD0000000, s2;
	s6 =	simm.s32 $0x108;
	_ =	swait.ge @!p0 [sflag:s8], $0x0  }
0x24: {  	s3 =	sadd.s32 $0x88, s3;
	s6 =	simm.s32 @!p1 $0x1082;
	[sflag:s4] =	ssyncset.s32 $0xFFFFF086  }
0x25: {  	[simem:s6], [sflag:s4] =	dma.local [hbm:s3], $0xF7A  }
0x26: {  	[smem:$0x3F9E] =	sst s1;
	(tag) =	ssettag s2;
	_ =	strace s9  }
0x27: {  	s1 =	sld [smem:$0x3FAE]  }
0x28: {  	s2 =	sld [smem:$0x3FAF]  }
0x29: {  	s4 =	sld [smem:$0x3FB1]  }
0x2a: {  	p0 =	seq.s32 s5, $0x0;
	s5 =	sld [smem:$0x3FB2]  }
0x2b: {  	s6 =	sld [smem:$0x3FB3]  }
0x2c: {  	s7 =	sld [smem:$0x3FB4]  }
0x2d: {  	s3 =	simm.s32 $0x108;
	s8 =	sld [smem:$0x3FB5]  }
0x2e: {  	s3 =	simm.s32 @!p0 $0x1082;
	s9 =	sld [smem:$0x3FB6]  }
0x2f: {  	lr =	sadd.s32 s0, s3;
	s0 =	sld [smem:$0x3FAD]  }
0x30: {  	s3 =	sld [smem:$0x3FB0]  }
0x31: {  	[smem:$0x3FB9] =	sst s10  }
0x32: {  	s10 =	sld [smem:$0x3FB7];
	_ =	sdelay $0x3  }
0x33: {  	p0 =	seq.s32 s10, $0x1;
	s10 =	sld [smem:$0x3FB9];
	_ =	sdelay $0x3  }
0x34: {  	[smem:$0x3FB9] =	sst s10  }
0x35: {  	s10 =	sld [smem:$0x3FB8];
	_ =	sdelay $0x3  }
0x36: {  	p1 =	seq.s32 s10, $0x1;
	s10 =	sld [smem:$0x3FB9];
	_ =	sdelay $0x3  }
0x37: {  	[smem:$0x3FB9] =	sst s10  }
0x38: {  	s10 =	sld [smem:$0x3FBA]  }
0x39: {  	_ = 	snop;
	(pc) =	sbr.ind lr, $3  }
0x3a: {  	_ = 	snop  }
0x3b: {  	_ = 	snop  }
0x3c: {  	p2 =	seq.s32 s10, $0x1;
	s10 =	sld [smem:$0x3FB9]  }
0x3d: {  	_ =	shalt  }
0x3e: {  	_ =	shalt  }
0x3f: {  	_ =	shalt  }
0x40: {  	_ =	shalt  }
0x41: {  	_ =	shalt  }
0x42: {  	_ =	shalt  }
0x43: {  	_ =	shalt  }
0x44: {  	_ =	shalt  }
0x45: {  	_ =	shalt  }
0x46: {  	_ =	shalt  }
0x47: {  	_ =	shalt  }
0x48: {  	_ =	shalt  }
0x49: {  	_ =	shalt  }
0x4a: {  	_ =	shalt  }
0x4b: {  	_ =	shalt  }
0x4c: {  	_ =	shalt  }
0x4d: {  	_ =	shalt  }
0x4e: {  	_ =	shalt  }
0x4f: {  	_ =	shalt  }
0x50: {  	_ =	shalt  }
0x51: {  	_ =	shalt  }
0x52: {  	_ =	shalt  }
0x53: {  	_ =	shalt  }
0x54: {  	_ =	shalt  }
0x55: {  	_ =	shalt  }
0x56: {  	_ =	shalt  }
0x57: {  	_ =	shalt  }
0x58: {  	_ =	shalt  }
0x59: {  	_ =	shalt  }
0x5a: {  	_ =	shalt  }
0x5b: {  	_ =	shalt  }
0x5c: {  	_ =	shalt  }
0x5d: {  	_ =	shalt  }
0x5e: {  	_ =	shalt  }
0x5f: {  	_ =	shalt  }
0x60: {  	_ =	shalt  }
0x61: {  	_ =	shalt  }
0x62: {  	_ =	shalt  }
0x63: {  	_ =	shalt  }
0x64: {  	_ =	shalt  }
0x65: {  	_ =	shalt  }
0x66: {  	_ =	shalt  }
0x67: {  	_ =	shalt  }
0x68: {  	_ =	shalt  }
0x69: {  	_ =	shalt  }
0x6a: {  	_ =	shalt  }
0x6b: {  	_ =	shalt  }
0x6c: {  	_ =	shalt  }
0x6d: {  	_ =	shalt  }
0x6e: {  	_ =	shalt  }
0x6f: {  	_ =	shalt  }
0x70: {  	_ =	shalt  }
0x71: {  	_ =	shalt  }
0x72: {  	_ =	shalt  }
0x73: {  	_ =	shalt  }
0x74: {  	_ =	shalt  }
0x75: {  	_ =	shalt  }
0x76: {  	_ =	shalt  }
0x77: {  	_ =	shalt  }
0x78: {  	_ =	shalt  }
0x79: {  	_ =	shalt  }
0x7a: {  	_ =	shalt  }
0x7b: {  	_ =	shalt  }
0x7c: {  	_ =	shalt  }
0x7d: {  	_ =	shalt  }
0x7e: {  	_ =	shalt  }
0x7f: {  	_ =	shalt  }
0x80: {  	_ =	shalt  }
0x81: {  	_ =	shalt  }
0x82: {  	_ =	shalt  }
0x83: {  	_ =	shalt  }
0x84: {  	_ =	shalt  }
0x85: {  	_ =	shalt  }
0x86: {  	_ =	shalt  }
0x87: {  	_ =	shalt  }
.Lfunc_end0:
.L_simem_size_0:
called_computation_lowered:
.L_overlay_start_0:
0x88: {  	s2 =	sld [smem:$0x3FD9]  }
0x89: {  	s3 =	sld [smem:$0x3FFE];
	_ =	sdelay $0x1  }
0x8a: {  	s1 =	srdreg.scid  }
0x8b: {  	s0 =	sand.u32 $0x1, s1  }
0x8c: {  	s17 =	sshll.u32 s0, $0xA;
	s2 =	sadd.s32 s3, s2  }
0x8d: {  	s2 =	sadd.s32 s2, s17  }
0x8e: {  	[smem:$0x3FC5] =	sst s2  }
0x8f: {  	_ = 	snop  }
0x90: {  	s2 =	sld [smem:$0x3FC9]  }
0x91: {  	s18 =	sld [smem:$0x3FD0];
	(tm) =	ssettm $0x1  }
0x92: {  	s4 =	sld [smem:$0x3FFB];
	_ =	sdelay $0x3  }
0x93: {  	_ =	strace s4  }
0x94: {  	s4 =	sld [smem:$0x3FFC];
	_ =	sdelay $0x3  }
0x95: {  	_ =	strace s4  }
0x96: {  	s4 =	sld [smem:$0x3FFD];
	_ =	sdelay $0x3  }
0x97: {  	_ =	strace s4  }
0x98: {  	_ =	strace $0x8FFFFFFF  }
0x99: {  	s19 =	sld [smem:$0x3FDB];
	_ =	sdelay $0x1  }
0x9a: {  	s5 =	simm.s32 $_scs_section_size  }
0x9b: {  	s6 =	simm.s32 $_size__tile_overlayer_lowered;
	s7 =	simm.s32 $_tile_overlayer_lowered  }
0x9c: {  	s22 =	simm.s32 $0x1BFF;
	s21 =	sshll.u32 s7, $0x1;
	s4 =	sadd.s32 s5, s19  }
0x9d: {  	s8 =	simm.s32 $0x0;
	s20 =	sshll.u32 s6, $0x1;
	s6 =	sadd.s32 s21, s4  }
0x9e: {  	[timem:s8], [sflag:s22] =	dma.local [hbm:s6], s20  }
0x9f: {  	_ =	swait.ge [sflag:s22], s20  }
0xa0: {  	s5 =	ssub.s32 $0x0, s20;
	[sflag:s22] =	ssyncset.done $0x0  }
0xa1: {  	[sflag:s22] =	ssyncadd.s32 s5;
	_ =	sdelay $0x1  }
0xa2: {  	s23 =	simm.s32 $0x1B8B  }
0xa3: {  	_ =	swait.ge [sflag:s23], $0x1  }
0xa4: {  	[sflag:s23] =	ssyncset.done $0x0  }
0xa5: {  	s25 =	simm.s32 $0x1B8E;
	s24 =	sld [smem:$0x3FFE];
	[sflag:s23] =	ssyncadd.s32 $0xFFFFFFFF  }
0xa6: {  	s26 =	simm.s32 $execute0_lowered;
	[smem:$0x3FD2] =	sst s25  }
0xa7: {  	s6 =	sshll.u32 s26, $0x1;
	_ =	strace $0x80000046;
	[dreg:$0x1] =	wrdreg $0xFFFFFFFF  }
0xa8: {  	s28 =	simm.s32 $_size_execute0_lowered;
	s4 =	sadd.s32 s4, s6;
	[dreg:$0x0] =	wrdreg $0x0  }
0xa9: {  	s6 =	sshll.u32 s28, $0x1;
	[dreg:$0x2] =	wrdreg s4  }
0xaa: {  	[dreg:$0x3] =	wrdreg s6  }
0xab: {  	[dreg:$0x4] =	wrdreg $0xC0  }
0xac: {  	_ =	task [dreg:s8], $0x5FFFF  }
0xad: {  	[dreg:$0x1] =	wrdreg $0xFFFFFFFF  }
0xae: {  	[dreg:$0x0] =	wrdreg $0x60  }
0xaf: {  	[dreg:$0x2] =	wrdreg s2  }
0xb0: {  	[dreg:$0x3] =	wrdreg s24  }
0xb1: {  	[dreg:$0x4] =	wrdreg s18  }
0xb2: {  	[dreg:$0x5] =	wrdreg $0x9  }
0xb3: {  	_ =	task.clear_ibuf [dreg:s8], $0x6FFFF;
	_ =	strace $0x90000046  }
0xb4: {  	s29 =	simm.s32 $0x9;
	_ =	strace $0x80000048  }
0xb5: {  	_ =	swait.ge [sflag:s29], $0x1  }
0xb6: {  	[sflag:s29] =	ssyncadd.s32 $0xFFFFFFFF  }
0xb7: {  	_ =	strace $0x90000048  }
0xb8: {  	_ =	sfence  }
0xb9: {  	s30 =	sld [smem:$0x0];
	_ =	sdelay $0x2  }
0xba: {  	s31 =	sshll.u32 s1, $0xD;
	s1 =	sshrl.u32 s1, $0x2  }
0xbb: {  	s3 =	sand.u32 $0x4000, s31;
	s1 =	sadd.s32 s1, s30  }
0xbc: {  	s0 =	sor.u32 s3, s0;
	s1 =	sshll.u32 s1, $0x11  }
0xbd: {  	s0 =	sor.u32 s1, s0  }
0xbe: {  	s0 =	sadd.s32 $0x8F2B, s0  }
0xbf: {  	[sflag:s0] =	ssyncadd.remote.s32 $0x1  }
0xc0: {  	_ =	sfence.sel $0xFFFF  }
0xc1: {  	[dreg:$0x0] =	wrdreg $0xFFFFFFFF;
	(pc) =	sbr.abs _section_cstart, $3  }
0xc2: {  	[dreg:$0x1] =	wrdreg $0xFFFFFFFF  }
0xc3: {  	_ =	task.clear_ibuf [dreg:s8], $0x2FFFF;
	_ =	strace $0x9FFFFFFF  }
0xc4: {  	(tm) =	ssettm $0x7FFFFFFF  }
0xc5: {  	_ =	shalt  }
tec
execute0_lowered:
.L_overlay_start_1:
0x0: {  	(tag) =	ssettag $0x1  }
0x1: {  	s0 =	rddreg [dreg:$0x0]  }
0x2: {  	s1 =	rddreg [dreg:$0x1]  }
0x3: {  	s6 =	stileid.u32;
	s4 =	rddreg [dreg:$0x2];
	s12 =	simm.s32 $0x0  }
0x4: {  	s2 =	srdreg.scid;
	[smem:$0x7FF] =	sst s12;
	s1 =	sadd.s32 $0x600, s1  }
0x5: {  	s21 =	simm.s32 $0x80;
	_ =	strace $0x80000047;
	[dreg:$0x4] =	wrdreg s1  }
0x6: {  	s22 =	simm.s32 $0x100;
	s23 =	simm.s32 $0x180;
	[dreg:$0xc] =	wrdreg s21  }
0x7: {  	s24 =	simm.s32 $0x200;
	s25 =	simm.s32 $0x400;
	[dreg:$0xd] =	wrdreg s22  }
0x8: {  	s26 =	simm.s32 $0x480;
	s29 =	simm.s32 $0x500;
	[dreg:$0xe] =	wrdreg s23  }
0x9: {  	s30 =	simm.s32 $0x580;
	s3 =	sshll.u32 s6, $0x1;
	[dreg:$0xf] =	wrdreg s24  }
0xa: {  	s5 =	sand.u32 $0x1, s2;
	s11 =	sand.u32 $0x2, s3;
	[dreg:$0x10] =	wrdreg s25  }
0xb: {  	s6 =	sshll.u32 s6, $0x5;
	[dreg:$0x11] =	wrdreg s26;
	s3 =	sor.u32 s5, s11  }
0xc: {  	s6 =	sand.u32 $0x1C0, s6;
	[dreg:$0x12] =	wrdreg s29;
	s3 =	sshll.u32 s3, $0x2  }
0xd: {  	s31 =	simm.s32 $0x600;
	[dreg:$0x13] =	wrdreg s30;
	s6 =	sor.u32 s6, s3  }
0xe: {  	[dreg:$0x14] =	wrdreg s31;
	s13 =	sadd.s32 s0, s6  }
0xf: {  	s17 =	sadd.s32 s4, s6;
	[dreg:$0x15] =	wrdreg s13  }
0x10: {  	s0 =	sadd.s32 $0x200, s13;
	[dreg:$0x16] =	wrdreg s17  }
0x11: {  	s14 =	sadd.s32 $0x400, s13;
	[dreg:$0x5] =	wrdreg s0  }
0x12: {  	s15 =	sadd.s32 $0x600, s13;
	[dreg:$0x6] =	wrdreg s14  }
0x13: {  	s16 =	sadd.s32 $0x800, s13;
	[dreg:$0x7] =	wrdreg s15  }
0x14: {  	s28 =	ssub.s32 $0x2, s5;
	s18 =	sadd.s32 $0x10, s17;
	[dreg:$0x8] =	wrdreg s16  }
0x15: {  	s5 =	sshrl.u32 s28, $0x1;
	s19 =	sadd.s32 $0x20, s17;
	[dreg:$0x9] =	wrdreg s18  }
0x16: {  	s1 =	ssub.s32 s28, s5;
	s20 =	sadd.s32 $0x30, s17;
	[dreg:$0xa] =	wrdreg s19  }
0x17: {  	s10 =	simm.s32 $0x1;
	s1 =	smax.u32 s1, $0x1;
	[dreg:$0xb] =	wrdreg s20  }
.LBB2_1:
0x18: {  	[dreg:$0x17] =	wrdreg s1  }
0x19: {  	s0 =	rddreg [dreg:$0x5]  }
0x1a: {  	s23 =	rddreg [dreg:$0xc]  }
0x1b: {  	s2 =	rddreg [dreg:$0x15]  }
0x1c: {  	s24 =	rddreg [dreg:$0x6]  }
0x1d: {  	s25 =	rddreg [dreg:$0xd]  }
0x1e: {  	s3 =	simm.s32 $0x0;
	s7 =	rddreg [dreg:$0x7]  }
0x1f: {  	[tilespmem:s3], [sflag:$0x1] =	stream.linear.gather [hbm4b:s2+s3], $0x20, $0x38;
	[tilespmem:$0x680] =	vst v63  }
0x20: {  	s8 =	rddreg [dreg:$0xe]  }
0x21: {  	[tilespmem:s23], [sflag:$0x1] =	stream.linear.gather [hbm4b:s0+s3], $0x20, $0x38;
	[tilespmem:$0x680] =	vst v63  }
0x22: {  	s26 =	rddreg [dreg:$0x8]  }
0x23: {  	[tilespmem:s25], [sflag:$0x1] =	stream.linear.gather [hbm4b:s24+s3], $0x20, $0x38;
	[tilespmem:$0x680] =	vst v63  }
0x24: {  	s28 =	rddreg [dreg:$0xf]  }
0x25: {  	[tilespmem:s8], [sflag:$0x1] =	stream.linear.gather [hbm4b:s7+s3], $0x20, $0x38;
	[tilespmem:$0x680] =	vst v63  }
0x26: {  	s29 =	rddreg [dreg:$0x4]  }
0x27: {  	[tilespmem:s28], [sflag:$0x1] =	stream.linear.gather [hbm4b:s26+s3], $0x20, $0x38;
	[tilespmem:$0x680] =	vst v63  }
0x28: {  	s30 =	rddreg [dreg:$0x10]  }
0x29: {  	[tilespmem:s30], [sflag:$0x1] =	stream.linear.gather [hbm4b:s29+s3], $0x80, $0x38;
	[tilespmem:$0x680] =	vst v63  }
0x2a: {  	_ =	swait.ge [sflag:s10], $0x20  }
0x2b: {  	[sflag:s10] =	ssyncset.done $0x0  }
0x2c: {  	[sflag:s10] =	ssyncadd.s32 $0xFFFFFFE0  }
0x2d: {  	_ =	swait.ge [sflag:s10], $0x20  }
0x2e: {  	[sflag:s10] =	ssyncset.done $0x0  }
0x2f: {  	[sflag:s10] =	ssyncadd.s32 $0xFFFFFFE0  }
0x30: {  	_ =	swait.ge [sflag:s10], $0x20  }
0x31: {  	[sflag:s10] =	ssyncset.done $0x0  }
0x32: {  	[sflag:s10] =	ssyncadd.s32 $0xFFFFFFE0  }
0x33: {  	_ =	swait.ge [sflag:s10], $0x20  }
0x34: {  	[sflag:s10] =	ssyncset.done $0x0  }
0x35: {  	[sflag:s10] =	ssyncadd.s32 $0xFFFFFFE0  }
0x36: {  	_ =	swait.ge [sflag:s10], $0x20  }
0x37: {  	[sflag:s10] =	ssyncset.done $0x0  }
0x38: {  	[sflag:s10] =	ssyncadd.s32 $0xFFFFFFE0  }
0x39: {  	_ =	swait.ge [sflag:s10], $0x80  }
0x3a: {  	[sflag:s10] =	ssyncset.done $0x0  }
0x3b: {  	[sflag:s10] =	ssyncadd.s32 $0xFFFFFF80  }
0x3c: {  	v0 =	vld [tilespmem:$0x410]  }
0x3d: {  	v1 =	vld [tilespmem:$0x400];
	_ =	sdelay $0x3  }
0x3e: {  	(v2sf) =	vpush v0, $0x0  }
0x3f: {  	(v2sf) =	vpush v1, $0x0  }
0x40: {  	(v2sf) =	vpush v0, $0x1  }
0x41: {  	(v2sf) =	vpush v1, $0x4  }
0x42: {  	(v2sf) =	vpush v0, $0x2  }
0x43: {  	(v2sf) =	vpush v1, $0x8  }
0x44: {  	(v2sf) =	vpush v0, $0x3  }
0x45: {  	(v2sf) =	vpush v1, $0xC  }
0x46: {  	(v2sf) =	vpush v1, $0x1;
	_ =	sdelay $0x1  }
0x47: {  	(v2sf) =	vpush v1, $0x5  }
0x48: {  	(v2sf) =	vpush v1, $0x9  }
0x49: {  	(v2sf) =	vpush v1, $0xD  }
0x4a: {  	(v2sf) =	vpush v1, $0x2;
	_ =	sdelay $0x1  }
0x4b: {  	(v2sf) =	vpush v1, $0x6;
	s31 =	spop (v2sf)  }
0x4c: {  	(v2sf) =	vpush v1, $0xA;
	s19 =	spop (v2sf)  }
0x4d: {  	(v2sf) =	vpush v1, $0xE;
	s1 =	spop (v2sf)  }
0x4e: {  	s18 =	spop (v2sf)  }
0x4f: {  	(v2sf) =	vpush v1, $0x3;
	s3 =	smul.f32 s31, s19;
	s14 =	spop (v2sf)  }
0x50: {  	(v2sf) =	vpush v1, $0x7;
	s16 =	smul.f32 s1, s18;
	s13 =	spop (v2sf)  }
0x51: {  	s21 =	spop (v2sf);
	s17 =	smul.f32 s14, s13  }
0x52: {  	(v2sf) =	vpush v1, $0xB;
	s16 =	sadd.f32 s16, s3;
	s11 =	spop (v2sf)  }
0x53: {  	s20 =	spop (v2sf)  }
0x54: {  	(v2sf) =	vpush v1, $0xF;
	s24 =	smul.f32 s21, s11;
	s17 =	sadd.f32 s16, s17  }
0x55: {  	(v2sf) =	vpush v0, $0x4;
	s15 =	spop (v2sf);
	s25 =	smul.f32 s31, s20  }
0x56: {  	s9 =	spop (v2sf);
	s12 =	smul.f32 s1, s15  }
0x57: {  	(v2sf) =	vpush v0, $0x5;
	s17 =	sadd.f32 s17, s24;
	s5 =	spop (v2sf)  }
0x58: {  	s26 =	smul.f32 s14, s9;
	s22 =	spop (v2sf)  }
0x59: {  	s25 =	sadd.f32 s12, s25;
	s28 =	smul.f32 s21, s5  }
0x5a: {  	[dreg:$0x18] =	wrdreg s17;
	s7 =	spop (v2sf)  }
0x5b: {  	s29 =	smul.f32 s31, s22;
	s4 =	spop (v2sf)  }
0x5c: {  	s24 =	smul.f32 s1, s7;
	s6 =	spop (v2sf);
	(v2sf) =	vpush v0, $0x6  }
0x5d: {  	s25 =	sadd.f32 s25, s26;
	s30 =	smul.f32 s14, s4  }
0x5e: {  	s23 =	spop (v2sf);
	(v2sf) =	vpush v0, $0x7;
	s29 =	sadd.f32 s24, s29  }
0x5f: {  	s3 =	smul.f32 s21, s6;
	s16 =	spop (v2sf)  }
0x60: {  	s0 =	smul.f32 s31, s23;
	s31 =	sadd.f32 s25, s28  }
0x61: {  	s1 =	smul.f32 s1, s16;
	s17 =	spop (v2sf)  }
0x62: {  	s8 =	smov.u32 s4;
	s26 =	sadd.f32 s29, s30;
	s4 =	smul.f32 s14, s17  }
0x63: {  	s14 =	spop (v2sf);
	s0 =	sadd.f32 s1, s0  }
0x64: {  	s21 =	smul.f32 s21, s14;
	s12 =	spop (v2sf)  }
0x65: {  	[dreg:$0x19] =	wrdreg s31;
	s30 =	smul.f32 s12, s19  }
0x66: {  	s31 =	spop (v2sf);
	s0 =	sadd.f32 s0, s4  }
0x67: {  	(v2sf) =	vpush v0, $0x8;
	s25 =	sadd.f32 s26, s3;
	s24 =	smul.f32 s31, s18  }
0x68: {  	s4 =	smul.f32 s12, s20;
	s0 =	sadd.f32 s0, s21  }
0x69: {  	(v2sf) =	vpush v0, $0x9;
	[dreg:$0x1c] =	wrdreg s25;
	s28 =	smul.f32 s31, s15  }
0x6a: {  	s21 =	smul.f32 s12, s23;
	[dreg:$0x1b] =	wrdreg s0  }
0x6b: {  	s0 =	smul.f32 s12, s22;
	s3 =	spop (v2sf)  }
0x6c: {  	s1 =	sadd.f32 s24, s30;
	s26 =	smul.f32 s3, s13  }
0x6d: {  	s2 =	spop (v2sf);
	s25 =	smul.f32 s3, s9  }
0x6e: {  	(v2sf) =	vpush v0, $0xA;
	s12 =	smul.f32 s2, s11  }
0x6f: {  	s1 =	sadd.f32 s1, s26;
	s26 =	smul.f32 s31, s7  }
0x70: {  	s4 =	sadd.f32 s28, s4;
	(v2sf) =	vpush v0, $0xB;
	s31 =	smul.f32 s31, s16  }
0x71: {  	s29 =	sadd.f32 s1, s12;
	s12 =	smul.f32 s2, s5  }
0x72: {  	s0 =	sadd.f32 s26, s0;
	s26 =	smul.f32 s3, s8  }
0x73: {  	s4 =	sadd.f32 s4, s25;
	s3 =	smul.f32 s3, s17  }
0x74: {  	(v2sf) =	vpush v0, $0xC;
	s25 =	smov.u32 s8;
	s8 =	smul.f32 s2, s6  }
0x75: {  	s2 =	smul.f32 s2, s14;
	s30 =	sadd.f32 s4, s12  }
0x76: {  	s4 =	sadd.f32 s31, s21;
	s31 =	spop (v2sf)  }
0x77: {  	s0 =	sadd.f32 s0, s26;
	s26 =	smov.u32 s6;
	s6 =	smul.f32 s31, s19  }
0x78: {  	s21 =	spop (v2sf);
	s3 =	sadd.f32 s4, s3  }
0x79: {  	(v2sf) =	vpush v0, $0xD;
	s1 =	smul.f32 s21, s18;
	s8 =	sadd.f32 s0, s8  }
0x7a: {  	s0 =	smul.f32 s31, s20;
	s2 =	sadd.f32 s3, s2  }
0x7b: {  	s12 =	smul.f32 s21, s15;
	s1 =	sadd.f32 s1, s6  }
0x7c: {  	s4 =	smul.f32 s31, s23;
	[dreg:$0x1a] =	wrdreg s2  }
0x7d: {  	s2 =	smul.f32 s31, s22;
	s6 =	spop (v2sf)  }
0x7e: {  	(v2sf) =	vpush v0, $0xE;
	s0 =	sadd.f32 s12, s0;
	s12 =	smul.f32 s6, s13  }
0x7f: {  	s24 =	smov.u32 s9;
	s31 =	spop (v2sf);
	s9 =	smul.f32 s6, s9  }
0x80: {  	s3 =	smul.f32 s31, s11  }
0x81: {  	s1 =	sadd.f32 s1, s12;
	s12 =	smul.f32 s31, s5  }
0x82: {  	s28 =	smov.u32 s5;
	s0 =	sadd.f32 s0, s9;
	s5 =	smul.f32 s21, s7  }
0x83: {  	s9 =	smul.f32 s21, s16;
	s21 =	spop (v2sf)  }
0x84: {  	s12 =	sadd.f32 s0, s12;
	s0 =	smul.f32 s6, s25  }
0x85: {  	s1 =	sadd.f32 s1, s3;
	s6 =	smul.f32 s6, s17  }
0x86: {  	s3 =	sadd.f32 s5, s2;
	s5 =	smul.f32 s21, s19  }
0x87: {  	s2 =	smul.f32 s31, s26  }
0x88: {  	(v2sf) =	vpush v0, $0xF;
	s9 =	sadd.f32 s9, s4;
	s19 =	spop (v2sf)  }
0x89: {  	v37 =	vld [tilespmem:$0x80];
	s3 =	sadd.f32 s3, s0;
	s4 =	smul.f32 s19, s18  }
0x8a: {  	v4 =	vld [tilespmem:$0x90];
	s18 =	smul.f32 s21, s23  }
0x8b: {  	s23 =	smul.f32 s19, s15;
	s0 =	sadd.f32 s3, s2  }
0x8c: {  	v38 =	vld [tilespmem:$0x100];
	s3 =	smul.f32 s21, s20;
	s2 =	sadd.f32 s9, s6  }
0x8d: {  	v2 =	vld [tilespmem:$0x180];
	s6 =	smul.f32 s21, s22;
	s20 =	spop (v2sf)  }
0x8e: {  	v5 =	vld [tilespmem:$0x110];
	s22 =	rddreg [dreg:$0x18];
	s21 =	smul.f32 s20, s13  }
0x8f: {  	v6 =	vld [tilespmem:$0x190];
	s9 =	rddreg [dreg:$0x19];
	v8 =	vmul.f32 s22, v37;
	v9 =	vmul.f32 s22, v4;
	s22 =	smul.f32 s20, s24  }
0x90: {  	s5 =	sadd.f32 s4, s5;
	s4 =	smul.f32 s20, s25  }
0x91: {  	v16 =	vmul.f32 s29, v37;
	s13 =	smul.f32 s20, s17;
	s20 =	rddreg [dreg:$0x1a]  }
0x92: {  	v17 =	vmul.f32 s29, v4;
	v18 =	vmul.f32 s30, v38;
	s3 =	sadd.f32 s23, s3  }
0x93: {  	v3 =	vld [tilespmem:$0x200];
	v19 =	vmul.f32 s30, v5;
	v20 =	vmul.f32 s8, v2;
	s24 =	smul.f32 s19, s7;
	s23 =	rddreg [dreg:$0x1b]  }
0x94: {  	v7 =	vld [tilespmem:$0x210];
	v21 =	vmul.f32 s8, v6;
	v16 =	vadd.f32 v18, v16;
	v22 =	vmul.f32 s1, v37;
	s7 =	smul.f32 s19, s16;
	s5 =	sadd.f32 s5, s21  }
0x95: {  	v48 =	vadd.f32 v19, v17;
	v23 =	vmul.f32 s1, v4;
	v25 =	vmul.f32 s12, v5;
	s16 =	smul.f32 s31, s14;
	s21 =	rddreg [dreg:$0x1c]  }
0x96: {  	v40 =	vadd.f32 v16, v20;
	v24 =	vmul.f32 s12, v38;
	v10 =	vmul.f32 s9, v38;
	s6 =	sadd.f32 s24, s6  }
0x97: {  	v50 =	vadd.f32 v25, v23;
	v39 =	vmul.f32 s0, v2;
	v26 =	vmul.f32 s0, v6;
	s0 =	sadd.f32 s2, s16;
	s15 =	spop (v2sf)  }
0x98: {  	v49 =	vld [tilespmem:$0x10];
	v11 =	vmul.f32 s9, v5;
	v43 =	vmul.f32 s20, v3;
	v8 =	vadd.f32 v10, v8;
	s3 =	sadd.f32 s3, s22;
	s11 =	smul.f32 s15, s11  }
0x99: {  	v12 =	vmul.f32 s21, v2;
	v53 =	vadd.f32 v26, v50;
	s6 =	sadd.f32 s6, s4;
	v54 =	vmul.f32 s0, v7;
	s29 =	smul.f32 s15, s28  }
0x9a: {  	v42 =	vld [tilespmem:$0x0];
	v51 =	vmul.f32 s20, v7;
	v14 =	vmul.f32 s23, v3;
	v9 =	vadd.f32 v11, v9;
	s5 =	sadd.f32 s5, s11  }
0x9b: {  	v13 =	vmul.f32 s21, v6;
	v8 =	vadd.f32 v8, v12;
	s9 =	smul.f32 s15, s26;
	v58 =	vadd.f32 v54, v53;
	s3 =	sadd.f32 s3, s29  }
0x9c: {  	v41 =	vadd.f32 v24, v22;
	v15 =	vmul.f32 s23, v7;
	v44 =	vmul.f32 s0, v3;
	s11 =	sadd.f32 s7, s18  }
0x9d: {  	v9 =	vadd.f32 v13, v9;
	v8 =	vadd.f32 v8, v14;
	s1 =	sadd.f32 s6, s9;
	v62 =	vmul.f32 v58, v49  }
0x9e: {  	v10 =	vadd.f32 v41, v39;
	s18 =	smul.f32 s15, s14;
	s17 =	sadd.f32 s11, s13;
	v0 =	vmul.f32 s5, v37;
	v1 =	vmul.f32 s3, v38  }
0x9f: {  	v52 =	vadd.f32 v15, v9;
	v8 =	vmul.f32 v8, v42;
	v4 =	vmul.f32 s5, v4  }
0xa0: {  	v2 =	vmul.f32 s1, v2;
	v46 =	vmul.f32 s3, v5;
	s19 =	sadd.f32 s17, s18;
	v0 =	vadd.f32 v1, v0  }
0xa1: {  	v47 =	vadd.f32 v10, v44;
	v59 =	vmul.f32 v52, v49;
	v6 =	vmul.f32 s1, v6  }
0xa2: {  	v0 =	vadd.f32 v0, v2;
	v45 =	vmul.f32 s19, v3;
	v3 =	vadd.f32 v46, v4  }
0xa3: {  	v5 =	vmul.f32 v47, v42;
	[tilespmem:$0x590] =	vst v62;
	v1 =	vadd.f32 v40, v43;
	v2 =	vadd.f32 v21, v48  }
0xa4: {  	[tilespmem:$0x480] =	vst v8;
	v57 =	vmul.f32 s19, v7;
	v0 =	vadd.f32 v0, v45;
	v56 =	vadd.f32 v6, v3  }
0xa5: {  	[tilespmem:$0x490] =	vst v59;
	v1 =	vmul.f32 v1, v42;
	v55 =	vadd.f32 v51, v2  }
0xa6: {  	s30 =	rddreg [dreg:$0x14];
	[tilespmem:$0x580] =	vst v5;
	v0 =	vmul.f32 v0, v42;
	v61 =	vadd.f32 v57, v56  }
0xa7: {  	s23 =	rddreg [dreg:$0x12];
	[tilespmem:$0x500] =	vst v1;
	v60 =	vmul.f32 v55, v49  }
0xa8: {  	s24 =	rddreg [dreg:$0x16];
	[tilespmem:$0x600] =	vst v0;
	v63 =	vmul.f32 v61, v49  }
0xa9: {  	s21 =	rddreg [dreg:$0x11];
	[tilespmem:$0x510] =	vst v60  }
0xaa: {  	s25 =	simm.s32 $0x0;
	s22 =	rddreg [dreg:$0x9];
	[tilespmem:$0x610] =	vst v63  }
0xab: {  	[hbm4b:s24+s25] =	stream.linear.scatter [tilespmem:s21], [sflag:$0x1], $0x20, $0x38;
	[tilespmem:$0x680] =	vst v63  }
0xac: {  	s26 =	rddreg [dreg:$0xa]  }
0xad: {  	[hbm4b:s22+s25] =	stream.linear.scatter [tilespmem:s23], [sflag:$0x1], $0x20, $0x38;
	[tilespmem:$0x680] =	vst v63  }
0xae: {  	s28 =	rddreg [dreg:$0x13]  }
0xaf: {  	[hbm4b:s26+s25] =	stream.linear.scatter [tilespmem:s28], [sflag:$0x1], $0x20, $0x38;
	[tilespmem:$0x680] =	vst v63  }
0xb0: {  	s29 =	rddreg [dreg:$0xb]  }
0xb1: {  	[hbm4b:s29+s25] =	stream.linear.scatter [tilespmem:s30], [sflag:$0x1], $0x20, $0x38;
	[tilespmem:$0x680] =	vst v63  }
0xb2: {  	s31 =	rddreg [dreg:$0x17];
	_ =	swait.ge [sflag:s10], $0x20  }
0xb3: {  	[sflag:s10] =	ssyncset.done $0x0  }
0xb4: {  	[sflag:s10] =	ssyncadd.s32 $0xFFFFFFE0  }
0xb5: {  	_ =	swait.ge [sflag:s10], $0x20  }
0xb6: {  	[sflag:s10] =	ssyncset.done $0x0  }
0xb7: {  	[sflag:s10] =	ssyncadd.s32 $0xFFFFFFE0  }
0xb8: {  	p0 =	sne.s32 s31, $0x1;
	_ =	swait.ge [sflag:s10], $0x20  }
.Ltmp0:
0xb9: {  	[sflag:s10] =	ssyncset.done $0x0;
	(pc) =	sbr.rel @p0 .LBB2_1-.Ltmp0, $4  }
0xba: {  	[sflag:s10] =	ssyncadd.s32 $0xFFFFFFE0  }
0xbb: {  	_ =	swait.ge [sflag:s10], $0x20  }
0xbc: {  	[sflag:s10] =	ssyncset.done $0x0  }
0xbd: {  	s1 =	sadd.s32 $0xFFFFFFFF, s31;
	[sflag:s10] =	ssyncadd.s32 $0xFFFFFFE0  }
0xbe: {  	_ =	sfence.sel $0x180000  }
0xbf: {  	[bflag:$0x0] =	sbarrier.arrive $0xFFFF  }
0xc0: {  	_ =	strace $0x90000047  }
0xc1: {  	s0 =	stileid.u32;
	[bflag:$0x2] =	sbarrier.arrive $0xFFFF  }
0xc2: {  	p0 =	sne.s32 s0, $0x0;
	s0 =	rddreg [dreg:$0x3]  }
0xc3: {  	s0 =	sadd.s32 @!p0 $0x100000, s0  }
0xc4: {  	[sflag:s0] =	ssyncadd.tile.s32 @!p0 $0x1;
	_ =	shalt  }
.Lfunc_end2:
_tile_overlayer_lowered:
.L_overlay_start_2:
0xc5: {  	(tag) =	ssettag $0x2  }
0xc6: {  	s0 =	rddreg [dreg:$0x0];
	s2 =	stileid.u32  }
0xc7: {  	s1 =	rddreg [dreg:$0x1];
	p0 =	sne.s32 s2, $0x0  }
0xc8: {  	s3 =	rddreg [dreg:$0x2];
	[bflag:$0x3] =	sbarrier.arrive $0xFFFF;
	s2 =	simm.s32 @!p0 $0x1C02  }
0xc9: {  	[timem:s3], [sflag:s2] =	dma.local @!p0 [hbm:s0], s1  }
0xca: {  	s0 =	simm.s32 @!p0 $0x2  }
0xcb: {  	_ =	swait.ge @!p0 [sflag:s0], s1  }
0xcc: {  	s1 =	ssub.s32 @!p0 $0x0, s1;
	[sflag:s0] =	ssyncset.done @!p0 $0x0  }
0xcd: {  	[sflag:s0] =	ssyncadd.s32 @!p0 s1  }
0xce: {  	[bflag:$0x3] =	sbarrier.arrive $0xFFFF  }
0xcf: {  	_ =	shalt  }

</sc_bundles>
